<compile_context>
chip_gen: v7x
topology: tpu7x:2x2x1
jax: 0.10.2.dev20260603
libtpu: 0.0.44.dev20260713+nightly
codegen_flags: <defaults>
</compile_context>

<pallas_src>
import jax
import jax.numpy as jnp
from jax import lax
from jax.experimental import pallas as pl
from jax.experimental.pallas import tpu as pltpu
from jax.experimental.pallas import tpu_sc as plsc

_NC = 2
_NS = 16
_NW = _NC * _NS
_CH = 2
_NBUF = 4
_PF = 2
_L = 16


def _sc_body(x_hbm, p_hbm, o_hbm, pos_v, buf_v, *sems):
    row = pos_v.shape[0]
    rpw = x_hbm.shape[0] // _NW
    nch = rpw // _CH
    in_sems, out_sems = sems[:_NBUF], sems[_NBUF:]
    wid = lax.axis_index("s") * _NC + lax.axis_index("c")
    base = wid * rpw

    pltpu.sync_copy(p_hbm, pos_v)

    def in_copy(c, b):
        return pltpu.make_async_copy(
            x_hbm.at[pl.ds(base + c * _CH, _CH)], buf_v.at[b], in_sems[b])

    def out_copy(c, b):
        return pltpu.make_async_copy(
            buf_v.at[b], o_hbm.at[pl.ds(base + c * _CH, _CH)], out_sems[b])

    for b in range(_PF):
        in_copy(b, b).start()

    n_outer = nch // _NBUF

    def step(o, carry):
        for b in range(_NBUF):
            c = o * _NBUF + b
            in_copy(c, b).wait()

            @plsc.parallel_loop(0, row // _L, unroll=8)
            def _(j):
                off = j * _L
                pv = pos_v[pl.ds(off, _L)]
                buf_v[b, 0, pl.ds(off, _L)] = buf_v[b, 0, pl.ds(off, _L)] + pv
                buf_v[b, 1, pl.ds(off, _L)] = buf_v[b, 1, pl.ds(off, _L)] + pv

            out_copy(c, b).start()

            b2 = (b + _PF) % _NBUF

            @pl.when(c + _PF < nch)
            def _():
                @pl.when(c >= _PF)
                def _():
                    out_copy(c - _PF, b2).wait()

                in_copy(c + _PF, b2).start()
        return carry

    lax.fori_loop(0, n_outer, step, 0)

    for c in range(nch - _PF - _PF, nch):
        out_copy(c, c % _NBUF).wait()


def kernel(x, pos_table):
    B, S, D = x.shape
    row = S * D
    x2 = x.reshape(B, row)
    p1 = pos_table.reshape(row)
    mesh = plsc.VectorSubcoreMesh(core_axis_name="c", subcore_axis_name="s")
    out = pl.kernel(
        _sc_body,
        out_type=jax.ShapeDtypeStruct((B, row), jnp.float32),
        mesh=mesh,
        scratch_types=[
            pltpu.VMEM((row,), jnp.float32),
            pltpu.VMEM((_NBUF, _CH, row), jnp.float32),
        ] + [pltpu.SemaphoreType.DMA] * (2 * _NBUF),
    )(x2, p1)
    return out.reshape(B, S, D)

# --- scband reference (transcript-rebuilt; emitter-appended) ---
"""Pipeline reference for scband-token-and-position-embedding-79826262163812 (READ-ONLY COPY).

The authoritative reference and input builder live on the scoring server;
editing this copy changes nothing except your own understanding.
"""

import jax, jax.numpy as jnp
import numpy as np

MAXLEN = 200
EMBED_DIM = 64
BATCH = 4096

def setup_inputs(seed: int = 0) -> dict:
    key = jax.random.key(seed)
    k_x, k_pos = jax.random.split(key)
    x = jax.random.normal(k_x, (BATCH, MAXLEN, EMBED_DIM), dtype=jnp.float32)
    # Learned positional embedding table sized per init_kwargs (maxlen x embed_dim)
    pos_table = jax.random.normal(k_pos, (MAXLEN, EMBED_DIM), dtype=jnp.float32) * 0.05
    return {"x": x, "pos_table": pos_table}

def reference(x, pos_table):
    # Faithful translation of TokenAndPositionEmbedding.call:
    #   maxlen = tf.shape(x)[1]
    #   positions = tf.range(0, maxlen)
    #   positions = self.pos_emb(positions)   # embedding gather
    #   return x + positions                   # broadcast add over batch
    maxlen = x.shape[1]
    positions = jnp.arange(0, maxlen, dtype=jnp.int32)
    pos = jnp.take(pos_table, positions, axis=0)  # [maxlen, embed_dim]
    return x + pos[None, :, :]

if __name__ == "__main__":
    import jax
    _d = setup_inputs()
    print(jax.jit(kernel)(*tuple(_d.values())))

</pallas_src>

<mosaic_0001>
#map = affine_map<(d0, d1) -> (0, 0)>
#map1 = affine_map<(d0, d1) -> (0)>
module attributes {stable_mosaic.version = 14 : i64} {
  func.func @_sc_body(%arg0: i32, %arg1: i32, %arg2: memref<4096x12800xf32, #tpu.memory_space<hbm>>, %arg3: memref<12800xf32, #tpu.memory_space<hbm>>, %arg4: memref<4096x12800xf32, #tpu.memory_space<hbm>>, %arg5: memref<12800xf32, #tpu.memory_space<vmem>>, %arg6: memref<4x2x12800xf32, #tpu.memory_space<vmem>>, %arg7: memref<!tpu.dma_semaphore, #tpu.memory_space<semaphore_mem>>, %arg8: memref<!tpu.dma_semaphore, #tpu.memory_space<semaphore_mem>>, %arg9: memref<!tpu.dma_semaphore, #tpu.memory_space<semaphore_mem>>, %arg10: memref<!tpu.dma_semaphore, #tpu.memory_space<semaphore_mem>>, %arg11: memref<!tpu.dma_semaphore, #tpu.memory_space<semaphore_mem>>, %arg12: memref<!tpu.dma_semaphore, #tpu.memory_space<semaphore_mem>>, %arg13: memref<!tpu.dma_semaphore, #tpu.memory_space<semaphore_mem>>, %arg14: memref<!tpu.dma_semaphore, #tpu.memory_space<semaphore_mem>>) attributes {dimension_semantics = [#tpu.dimension_semantics<core_parallel>, #tpu.dimension_semantics<subcore_parallel>], iteration_bounds = array<i64: 2, 16>, scalar_prefetch = 0 : i64, scratch_operands = 10 : i64, tpu.core_type = #tpu.core_type<sc_vector_subcore>, window_params = [{transform_indices = #map}, {transform_indices = #map1}, {transform_indices = #map}]} {
    %mul3A = arith.constant 2 : i32
    %mul3A_0 = arith.muli %arg1, %mul3A : i32
    %add3A = arith.addi %mul3A_0, %arg0 : i32
    %mul3A_1 = arith.constant 128 : i32
    %mul3A_2 = arith.muli %add3A, %mul3A_1 : i32
    "tpu.region"() ({
      %run_scoped3A = tpu.sem_alloc : memref<!tpu.dma_semaphore, #tpu.memory_space<semaphore_mem>>
      tpu.enqueue_dma source(%arg3 : memref<12800xf32, #tpu.memory_space<hbm>>) target(%arg5 : memref<12800xf32, #tpu.memory_space<vmem>>) target_semaphore(%run_scoped3A : memref<!tpu.dma_semaphore, #tpu.memory_space<semaphore_mem>>)
      tpu.wait_dma2 semaphore(%run_scoped3A : memref<!tpu.dma_semaphore, #tpu.memory_space<semaphore_mem>>) src(%arg3 : memref<12800xf32, #tpu.memory_space<hbm>>) dst(%arg5 : memref<12800xf32, #tpu.memory_space<vmem>>)
      tpu.yield
    }) : () -> ()
    %add3A_3 = arith.constant 0 : i32
    %add3A_4 = arith.addi %mul3A_2, %add3A_3 : i32
    %dma_start3A = arith.constant 0 : i32
    %dma_start3A_5 = arith.constant 0 : i32
    %dma_start3A_6 = arith.constant 0 : i32
    %dma_start3A_7 = tpu.memref_slice %arg6[%dma_start3A, %dma_start3A_5, %dma_start3A_6] : memref<4x2x12800xf32, #tpu.memory_space<vmem>> -> memref<1x2x12800xf32, #tpu.memory_space<vmem>>
    %dma_start3A_8 = tpu.memref_squeeze %dma_start3A_7 : memref<1x2x12800xf32, #tpu.memory_space<vmem>> -> memref<2x12800xf32, #tpu.memory_space<vmem>>
    %dma_start3A_9 = arith.constant 0 : i32
    %dma_start3A_10 = tpu.memref_slice %arg2[%add3A_4, %dma_start3A_9] : memref<4096x12800xf32, #tpu.memory_space<hbm>> -> memref<2x12800xf32, #tpu.memory_space<hbm>>
    %dma_start3A_11 = arith.constant 0 : i32
    %dma_start3A_12 = arith.constant 0 : i32
    %dma_start3A_13 = tpu.memref_slice %arg6[%dma_start3A, %dma_start3A_11, %dma_start3A_12] : memref<4x2x12800xf32, #tpu.memory_space<vmem>> -> memref<1x2x12800xf32, #tpu.memory_space<vmem>>
    %dma_start3A_14 = tpu.memref_squeeze %dma_start3A_13 : memref<1x2x12800xf32, #tpu.memory_space<vmem>> -> memref<2x12800xf32, #tpu.memory_space<vmem>>
    %dma_start3A_15 = arith.constant 0 : i32
    %dma_start3A_16 = tpu.memref_slice %arg2[%add3A_4, %dma_start3A_15] : memref<4096x12800xf32, #tpu.memory_space<hbm>> -> memref<2x12800xf32, #tpu.memory_space<hbm>>
    tpu.enqueue_dma source(%dma_start3A_16 : memref<2x12800xf32, #tpu.memory_space<hbm>>) target(%dma_start3A_14 : memref<2x12800xf32, #tpu.memory_space<vmem>>) target_semaphore(%arg7 : memref<!tpu.dma_semaphore, #tpu.memory_space<semaphore_mem>>)
    %add3A_17 = arith.constant 2 : i32
    %add3A_18 = arith.addi %mul3A_2, %add3A_17 : i32
    %dma_start3A_19 = arith.constant 1 : i32
    %dma_start3A_20 = arith.constant 0 : i32
    %dma_start3A_21 = arith.constant 0 : i32
    %dma_start3A_22 = tpu.memref_slice %arg6[%dma_start3A_19, %dma_start3A_20, %dma_start3A_21] : memref<4x2x12800xf32, #tpu.memory_space<vmem>> -> memref<1x2x12800xf32, #tpu.memory_space<vmem>>
    %dma_start3A_23 = tpu.memref_squeeze %dma_start3A_22 : memref<1x2x12800xf32, #tpu.memory_space<vmem>> -> memref<2x12800xf32, #tpu.memory_space<vmem>>
    %dma_start3A_24 = arith.constant 0 : i32
    %dma_start3A_25 = tpu.memref_slice %arg2[%add3A_18, %dma_start3A_24] : memref<4096x12800xf32, #tpu.memory_space<hbm>> -> memref<2x12800xf32, #tpu.memory_space<hbm>>
    %dma_start3A_26 = arith.constant 0 : i32
    %dma_start3A_27 = arith.constant 0 : i32
    %dma_start3A_28 = tpu.memref_slice %arg6[%dma_start3A_19, %dma_start3A_26, %dma_start3A_27] : memref<4x2x12800xf32, #tpu.memory_space<vmem>> -> memref<1x2x12800xf32, #tpu.memory_space<vmem>>
    %dma_start3A_29 = tpu.memref_squeeze %dma_start3A_28 : memref<1x2x12800xf32, #tpu.memory_space<vmem>> -> memref<2x12800xf32, #tpu.memory_space<vmem>>
    %dma_start3A_30 = arith.constant 0 : i32
    %dma_start3A_31 = tpu.memref_slice %arg2[%add3A_18, %dma_start3A_30] : memref<4096x12800xf32, #tpu.memory_space<hbm>> -> memref<2x12800xf32, #tpu.memory_space<hbm>>
    tpu.enqueue_dma source(%dma_start3A_31 : memref<2x12800xf32, #tpu.memory_space<hbm>>) target(%dma_start3A_29 : memref<2x12800xf32, #tpu.memory_space<vmem>>) target_semaphore(%arg8 : memref<!tpu.dma_semaphore, #tpu.memory_space<semaphore_mem>>)
    %scan3A = arith.constant 0 : i32
    %scan3A_32 = arith.constant 0 : i32
    %scan3A_33 = arith.constant 16 : i32
    %scan3A_34 = arith.addi %scan3A_32, %scan3A_33 : i32
    %scan3A_35 = arith.constant 1 : i32
    scf.for %scan3A_96 = %scan3A_32 to %scan3A_34 step %scan3A_35  : i32 {
      %mul3A_97 = arith.constant 4 : i32
      %mul3A_98 = arith.muli %scan3A_96, %mul3A_97 : i32
      %add3A_99 = arith.constant 0 : i32
      %add3A_100 = arith.addi %mul3A_98, %add3A_99 : i32
      %mul3A_101 = arith.constant 2 : i32
      %mul3A_102 = arith.muli %add3A_100, %mul3A_101 : i32
      %add3A_103 = arith.addi %mul3A_2, %mul3A_102 : i32
      %dma_wait3A_104 = arith.constant 0 : i32
      %dma_wait3A_105 = arith.constant 0 : i32
      %dma_wait3A_106 = arith.constant 0 : i32
      %dma_wait3A_107 = tpu.memref_slice %arg6[%dma_wait3A_104, %dma_wait3A_105, %dma_wait3A_106] : memref<4x2x12800xf32, #tpu.memory_space<vmem>> -> memref<1x2x12800xf32, #tpu.memory_space<vmem>>
      %dma_wait3A_108 = tpu.memref_squeeze %dma_wait3A_107 : memref<1x2x12800xf32, #tpu.memory_space<vmem>> -> memref<2x12800xf32, #tpu.memory_space<vmem>>
      %dma_wait3A_109 = arith.constant 0 : i32
      %dma_wait3A_110 = tpu.memref_slice %arg2[%add3A_103, %dma_wait3A_109] : memref<4096x12800xf32, #tpu.memory_space<hbm>> -> memref<2x12800xf32, #tpu.memory_space<hbm>>
      %dma_wait3A_111 = arith.constant 0 : i32
      %dma_wait3A_112 = arith.constant 0 : i32
      %dma_wait3A_113 = tpu.memref_slice %arg6[%dma_wait3A_104, %dma_wait3A_111, %dma_wait3A_112] : memref<4x2x12800xf32, #tpu.memory_space<vmem>> -> memref<1x2x12800xf32, #tpu.memory_space<vmem>>
      %dma_wait3A_114 = tpu.memref_squeeze %dma_wait3A_113 : memref<1x2x12800xf32, #tpu.memory_space<vmem>> -> memref<2x12800xf32, #tpu.memory_space<vmem>>
      %dma_wait3A_115 = arith.constant 0 : i32
      %dma_wait3A_116 = tpu.memref_slice %arg2[%add3A_103, %dma_wait3A_115] : memref<4096x12800xf32, #tpu.memory_space<hbm>> -> memref<2x12800xf32, #tpu.memory_space<hbm>>
      tpu.wait_dma2 semaphore(%arg7 : memref<!tpu.dma_semaphore, #tpu.memory_space<semaphore_mem>>) src(%dma_wait3A_116 : memref<2x12800xf32, #tpu.memory_space<hbm>>) dst(%dma_wait3A_114 : memref<2x12800xf32, #tpu.memory_space<vmem>>)
      %parallel_loop3A = arith.constant 0 : i32
      %parallel_loop3A_117 = arith.constant 800 : i32
      %parallel_loop3A_118 = arith.constant 1 : i32
      scf.for %parallel_loop3A_277 = %parallel_loop3A to %parallel_loop3A_117 step %parallel_loop3A_118  : i32 {
        %parallel_loop3A_278 = arith.constant 16 : i32
        %parallel_loop3A_279 = arith.muli %parallel_loop3A_277, %parallel_loop3A_278 : i32
        %parallel_loop3A_280 = arith.index_cast %parallel_loop3A_279 : i32 to index
        %parallel_loop3A_281 = tpu.vector_load %arg5[%parallel_loop3A_280] {strides = array<i32>} : memref<12800xf32, #tpu.memory_space<vmem>>, vector<16xf32>,
        %parallel_loop3A_282 = vector.shape_cast %parallel_loop3A_281 : vector<16xf32> to vector<16xf32>
        %parallel_loop3A_283 = arith.constant 0 : i32
        %parallel_loop3A_284 = arith.constant 0 : i32
        %parallel_loop3A_285 = arith.index_cast %parallel_loop3A_283 : i32 to index
        %parallel_loop3A_286 = arith.index_cast %parallel_loop3A_284 : i32 to index
        %parallel_loop3A_287 = arith.index_cast %parallel_loop3A_279 : i32 to index
        %parallel_loop3A_288 = tpu.vector_load %arg6[%parallel_loop3A_285, %parallel_loop3A_286, %parallel_loop3A_287] {strides = array<i32>} : memref<4x2x12800xf32, #tpu.memory_space<vmem>>, vector<1x1x16xf32>,
        %parallel_loop3A_289 = vector.shape_cast %parallel_loop3A_288 : vector<1x1x16xf32> to vector<16xf32>
        %parallel_loop3A_290 = arith.addf %parallel_loop3A_289, %parallel_loop3A_282 : vector<16xf32>
        %parallel_loop3A_291 = arith.constant 0 : i32
        %parallel_loop3A_292 = arith.constant 0 : i32
        %parallel_loop3A_293 = arith.index_cast %parallel_loop3A_291 : i32 to index
        %parallel_loop3A_294 = arith.index_cast %parallel_loop3A_292 : i32 to index
        %parallel_loop3A_295 = arith.index_cast %parallel_loop3A_279 : i32 to index
        %parallel_loop3A_296 = tpu.vector_load %arg6[%parallel_loop3A_293, %parallel_loop3A_294, %parallel_loop3A_295] {strides = array<i32>} : memref<4x2x12800xf32, #tpu.memory_space<vmem>>, vector<1x1x16xf32>,
        %parallel_loop3A_297 = vector.shape_cast %parallel_loop3A_296 : vector<1x1x16xf32> to vector<16xf32>
        %parallel_loop3A_298 = vector.shape_cast %parallel_loop3A_290 : vector<16xf32> to vector<1x1x16xf32>
        tpu.vector_store %arg6[%parallel_loop3A_293, %parallel_loop3A_294, %parallel_loop3A_295], %parallel_loop3A_298 {strides = array<i32>} : memref<4x2x12800xf32, #tpu.memory_space<vmem>>, vector<1x1x16xf32>,
        %parallel_loop3A_299 = arith.constant 0 : i32
        %parallel_loop3A_300 = arith.constant 1 : i32
        %parallel_loop3A_301 = arith.index_cast %parallel_loop3A_299 : i32 to index
        %parallel_loop3A_302 = arith.index_cast %parallel_loop3A_300 : i32 to index
        %parallel_loop3A_303 = arith.index_cast %parallel_loop3A_279 : i32 to index
        %parallel_loop3A_304 = tpu.vector_load %arg6[%parallel_loop3A_301, %parallel_loop3A_302, %parallel_loop3A_303] {strides = array<i32>} : memref<4x2x12800xf32, #tpu.memory_space<vmem>>, vector<1x1x16xf32>,
        %parallel_loop3A_305 = vector.shape_cast %parallel_loop3A_304 : vector<1x1x16xf32> to vector<16xf32>
        %parallel_loop3A_306 = arith.addf %parallel_loop3A_305, %parallel_loop3A_282 : vector<16xf32>
        %parallel_loop3A_307 = arith.constant 0 : i32
        %parallel_loop3A_308 = arith.constant 1 : i32
        %parallel_loop3A_309 = arith.index_cast %parallel_loop3A_307 : i32 to index
        %parallel_loop3A_310 = arith.index_cast %parallel_loop3A_308 : i32 to index
        %parallel_loop3A_311 = arith.index_cast %parallel_loop3A_279 : i32 to index
        %parallel_loop3A_312 = tpu.vector_load %arg6[%parallel_loop3A_309, %parallel_loop3A_310, %parallel_loop3A_311] {strides = array<i32>} : memref<4x2x12800xf32, #tpu.memory_space<vmem>>, vector<1x1x16xf32>,
        %parallel_loop3A_313 = vector.shape_cast %parallel_loop3A_312 : vector<1x1x16xf32> to vector<16xf32>
        %parallel_loop3A_314 = vector.shape_cast %parallel_loop3A_306 : vector<16xf32> to vector<1x1x16xf32>
        tpu.vector_store %arg6[%parallel_loop3A_309, %parallel_loop3A_310, %parallel_loop3A_311], %parallel_loop3A_314 {strides = array<i32>} : memref<4x2x12800xf32, #tpu.memory_space<vmem>>, vector<1x1x16xf32>,
      } {sc.loop_unroll_factor = 8 : i64, sc.parallel_access}
      %mul3A_119 = arith.constant 2 : i32
      %mul3A_120 = arith.muli %add3A_100, %mul3A_119 : i32
      %add3A_121 = arith.addi %mul3A_2, %mul3A_120 : i32
      %dma_start3A_122 = arith.constant 0 : i32
      %dma_start3A_123 = arith.constant 0 : i32
      %dma_start3A_124 = arith.constant 0 : i32
      %dma_start3A_125 = tpu.memref_slice %arg6[%dma_start3A_122, %dma_start3A_123, %dma_start3A_124] : memref<4x2x12800xf32, #tpu.memory_space<vmem>> -> memref<1x2x12800xf32, #tpu.memory_space<vmem>>
      %dma_start3A_126 = tpu.memref_squeeze %dma_start3A_125 : memref<1x2x12800xf32, #tpu.memory_space<vmem>> -> memref<2x12800xf32, #tpu.memory_space<vmem>>
      %dma_start3A_127 = arith.constant 0 : i32
      %dma_start3A_128 = tpu.memref_slice %arg4[%add3A_121, %dma_start3A_127] : memref<4096x12800xf32, #tpu.memory_space<hbm>> -> memref<2x12800xf32, #tpu.memory_space<hbm>>
      %dma_start3A_129 = arith.constant 0 : i32
      %dma_start3A_130 = tpu.memref_slice %arg4[%add3A_121, %dma_start3A_129] : memref<4096x12800xf32, #tpu.memory_space<hbm>> -> memref<2x12800xf32, #tpu.memory_space<hbm>>
      %dma_start3A_131 = arith.constant 0 : i32
      %dma_start3A_132 = arith.constant 0 : i32
      %dma_start3A_133 = tpu.memref_slice %arg6[%dma_start3A_122, %dma_start3A_131, %dma_start3A_132] : memref<4x2x12800xf32, #tpu.memory_space<vmem>> -> memref<1x2x12800xf32, #tpu.memory_space<vmem>>
      %dma_start3A_134 = tpu.memref_squeeze %dma_start3A_133 : memref<1x2x12800xf32, #tpu.memory_space<vmem>> -> memref<2x12800xf32, #tpu.memory_space<vmem>>
      tpu.enqueue_dma source(%dma_start3A_134 : memref<2x12800xf32, #tpu.memory_space<vmem>>) target(%dma_start3A_130 : memref<2x12800xf32, #tpu.memory_space<hbm>>) target_semaphore(%arg11 : memref<!tpu.dma_semaphore, #tpu.memory_space<semaphore_mem>>)
      %add3A_135 = arith.constant 2 : i32
      %add3A_136 = arith.addi %add3A_100, %add3A_135 : i32
      %lt3A = arith.constant 64 : i32
      %lt3A_137 = arith.cmpi slt, %add3A_136, %lt3A : i32
      %convert_element_type3A = arith.extui %lt3A_137 : i1 to i32
      %cond3A = arith.constant 0 : i32
      %cond3A_138 = arith.cmpi ne, %convert_element_type3A, %cond3A : i32
      scf.if %cond3A_138 {
        %ge3A = arith.constant 2 : i32
        %ge3A_277 = arith.cmpi sge, %add3A_100, %ge3A : i32
        %convert_element_type3A_278 = arith.extui %ge3A_277 : i1 to i32
        %cond3A_279 = arith.constant 0 : i32
        %cond3A_280 = arith.cmpi ne, %convert_element_type3A_278, %cond3A_279 : i32
        scf.if %cond3A_280 {
          %sub3A = arith.constant 2 : i32
          %sub3A_299 = arith.subi %add3A_100, %sub3A : i32
          %mul3A_300 = arith.constant 2 : i32
          %mul3A_301 = arith.muli %sub3A_299, %mul3A_300 : i32
          %add3A_302 = arith.addi %mul3A_2, %mul3A_301 : i32
          %dma_wait3A_303 = arith.constant 2 : i32
          %dma_wait3A_304 = arith.constant 0 : i32
          %dma_wait3A_305 = arith.constant 0 : i32
          %dma_wait3A_306 = tpu.memref_slice %arg6[%dma_wait3A_303, %dma_wait3A_304, %dma_wait3A_305] : memref<4x2x12800xf32, #tpu.memory_space<vmem>> -> memref<1x2x12800xf32, #tpu.memory_space<vmem>>
          %dma_wait3A_307 = tpu.memref_squeeze %dma_wait3A_306 : memref<1x2x12800xf32, #tpu.memory_space<vmem>> -> memref<2x12800xf32, #tpu.memory_space<vmem>>
          %dma_wait3A_308 = arith.constant 0 : i32
          %dma_wait3A_309 = tpu.memref_slice %arg4[%add3A_302, %dma_wait3A_308] : memref<4096x12800xf32, #tpu.memory_space<hbm>> -> memref<2x12800xf32, #tpu.memory_space<hbm>>
          %dma_wait3A_310 = arith.constant 0 : i32
          %dma_wait3A_311 = tpu.memref_slice %arg4[%add3A_302, %dma_wait3A_310] : memref<4096x12800xf32, #tpu.memory_space<hbm>> -> memref<2x12800xf32, #tpu.memory_space<hbm>>
          %dma_wait3A_312 = arith.constant 0 : i32
          %dma_wait3A_313 = arith.constant 0 : i32
          %dma_wait3A_314 = tpu.memref_slice %arg6[%dma_wait3A_303, %dma_wait3A_312, %dma_wait3A_313] : memref<4x2x12800xf32, #tpu.memory_space<vmem>> -> memref<1x2x12800xf32, #tpu.memory_space<vmem>>
          %dma_wait3A_315 = tpu.memref_squeeze %dma_wait3A_314 : memref<1x2x12800xf32, #tpu.memory_space<vmem>> -> memref<2x12800xf32, #tpu.memory_space<vmem>>
          tpu.wait_dma2 semaphore(%arg13 : memref<!tpu.dma_semaphore, #tpu.memory_space<semaphore_mem>>) src(%dma_wait3A_315 : memref<2x12800xf32, #tpu.memory_space<vmem>>) dst(%dma_wait3A_311 : memref<2x12800xf32, #tpu.memory_space<hbm>>)
        } else {
        }
        %add3A_281 = arith.constant 2 : i32
        %add3A_282 = arith.addi %add3A_100, %add3A_281 : i32
        %mul3A_283 = arith.constant 2 : i32
        %mul3A_284 = arith.muli %add3A_282, %mul3A_283 : i32
        %add3A_285 = arith.addi %mul3A_2, %mul3A_284 : i32
        %dma_start3A_286 = arith.constant 2 : i32
        %dma_start3A_287 = arith.constant 0 : i32
        %dma_start3A_288 = arith.constant 0 : i32
        %dma_start3A_289 = tpu.memref_slice %arg6[%dma_start3A_286, %dma_start3A_287, %dma_start3A_288] : memref<4x2x12800xf32, #tpu.memory_space<vmem>> -> memref<1x2x12800xf32, #tpu.memory_space<vmem>>
        %dma_start3A_290 = tpu.memref_squeeze %dma_start3A_289 : memref<1x2x12800xf32, #tpu.memory_space<vmem>> -> memref<2x12800xf32, #tpu.memory_space<vmem>>
        %dma_start3A_291 = arith.constant 0 : i32
        %dma_start3A_292 = tpu.memref_slice %arg2[%add3A_285, %dma_start3A_291] : memref<4096x12800xf32, #tpu.memory_space<hbm>> -> memref<2x12800xf32, #tpu.memory_space<hbm>>
        %dma_start3A_293 = arith.constant 0 : i32
        %dma_start3A_294 = arith.constant 0 : i32
        %dma_start3A_295 = tpu.memref_slice %arg6[%dma_start3A_286, %dma_start3A_293, %dma_start3A_294] : memref<4x2x12800xf32, #tpu.memory_space<vmem>> -> memref<1x2x12800xf32, #tpu.memory_space<vmem>>
        %dma_start3A_296 = tpu.memref_squeeze %dma_start3A_295 : memref<1x2x12800xf32, #tpu.memory_space<vmem>> -> memref<2x12800xf32, #tpu.memory_space<vmem>>
        %dma_start3A_297 = arith.constant 0 : i32
        %dma_start3A_298 = tpu.memref_slice %arg2[%add3A_285, %dma_start3A_297] : memref<4096x12800xf32, #tpu.memory_space<hbm>> -> memref<2x12800xf32, #tpu.memory_space<hbm>>
        tpu.enqueue_dma source(%dma_start3A_298 : memref<2x12800xf32, #tpu.memory_space<hbm>>) target(%dma_start3A_296 : memref<2x12800xf32, #tpu.memory_space<vmem>>) target_semaphore(%arg9 : memref<!tpu.dma_semaphore, #tpu.memory_space<semaphore_mem>>)
      } else {
      }
      %mul3A_139 = arith.constant 4 : i32
      %mul3A_140 = arith.muli %scan3A_96, %mul3A_139 : i32
      %add3A_141 = arith.constant 1 : i32
      %add3A_142 = arith.addi %mul3A_140, %add3A_141 : i32
      %mul3A_143 = arith.constant 2 : i32
      %mul3A_144 = arith.muli %add3A_142, %mul3A_143 : i32
      %add3A_145 = arith.addi %mul3A_2, %mul3A_144 : i32
      %dma_wait3A_146 = arith.constant 1 : i32
      %dma_wait3A_147 = arith.constant 0 : i32
      %dma_wait3A_148 = arith.constant 0 : i32
      %dma_wait3A_149 = tpu.memref_slice %arg6[%dma_wait3A_146, %dma_wait3A_147, %dma_wait3A_148] : memref<4x2x12800xf32, #tpu.memory_space<vmem>> -> memref<1x2x12800xf32, #tpu.memory_space<vmem>>
      %dma_wait3A_150 = tpu.memref_squeeze %dma_wait3A_149 : memref<1x2x12800xf32, #tpu.memory_space<vmem>> -> memref<2x12800xf32, #tpu.memory_space<vmem>>
      %dma_wait3A_151 = arith.constant 0 : i32
      %dma_wait3A_152 = tpu.memref_slice %arg2[%add3A_145, %dma_wait3A_151] : memref<4096x12800xf32, #tpu.memory_space<hbm>> -> memref<2x12800xf32, #tpu.memory_space<hbm>>
      %dma_wait3A_153 = arith.constant 0 : i32
      %dma_wait3A_154 = arith.constant 0 : i32
      %dma_wait3A_155 = tpu.memref_slice %arg6[%dma_wait3A_146, %dma_wait3A_153, %dma_wait3A_154] : memref<4x2x12800xf32, #tpu.memory_space<vmem>> -> memref<1x2x12800xf32, #tpu.memory_space<vmem>>
      %dma_wait3A_156 = tpu.memref_squeeze %dma_wait3A_155 : memref<1x2x12800xf32, #tpu.memory_space<vmem>> -> memref<2x12800xf32, #tpu.memory_space<vmem>>
      %dma_wait3A_157 = arith.constant 0 : i32
      %dma_wait3A_158 = tpu.memref_slice %arg2[%add3A_145, %dma_wait3A_157] : memref<4096x12800xf32, #tpu.memory_space<hbm>> -> memref<2x12800xf32, #tpu.memory_space<hbm>>
      tpu.wait_dma2 semaphore(%arg8 : memref<!tpu.dma_semaphore, #tpu.memory_space<semaphore_mem>>) src(%dma_wait3A_158 : memref<2x12800xf32, #tpu.memory_space<hbm>>) dst(%dma_wait3A_156 : memref<2x12800xf32, #tpu.memory_space<vmem>>)
      %parallel_loop3A_159 = arith.constant 0 : i32
      %parallel_loop3A_160 = arith.constant 800 : i32
      %parallel_loop3A_161 = arith.constant 1 : i32
      scf.for %parallel_loop3A_277 = %parallel_loop3A_159 to %parallel_loop3A_160 step %parallel_loop3A_161  : i32 {
        %parallel_loop3A_278 = arith.constant 16 : i32
        %parallel_loop3A_279 = arith.muli %parallel_loop3A_277, %parallel_loop3A_278 : i32
        %parallel_loop3A_280 = arith.index_cast %parallel_loop3A_279 : i32 to index
        %parallel_loop3A_281 = tpu.vector_load %arg5[%parallel_loop3A_280] {strides = array<i32>} : memref<12800xf32, #tpu.memory_space<vmem>>, vector<16xf32>,
        %parallel_loop3A_282 = vector.shape_cast %parallel_loop3A_281 : vector<16xf32> to vector<16xf32>
        %parallel_loop3A_283 = arith.constant 1 : i32
        %parallel_loop3A_284 = arith.constant 0 : i32
        %parallel_loop3A_285 = arith.index_cast %parallel_loop3A_283 : i32 to index
        %parallel_loop3A_286 = arith.index_cast %parallel_loop3A_284 : i32 to index
        %parallel_loop3A_287 = arith.index_cast %parallel_loop3A_279 : i32 to index
        %parallel_loop3A_288 = tpu.vector_load %arg6[%parallel_loop3A_285, %parallel_loop3A_286, %parallel_loop3A_287] {strides = array<i32>} : memref<4x2x12800xf32, #tpu.memory_space<vmem>>, vector<1x1x16xf32>,
        %parallel_loop3A_289 = vector.shape_cast %parallel_loop3A_288 : vector<1x1x16xf32> to vector<16xf32>
        %parallel_loop3A_290 = arith.addf %parallel_loop3A_289, %parallel_loop3A_282 : vector<16xf32>
        %parallel_loop3A_291 = arith.constant 1 : i32
        %parallel_loop3A_292 = arith.constant 0 : i32
        %parallel_loop3A_293 = arith.index_cast %parallel_loop3A_291 : i32 to index
        %parallel_loop3A_294 = arith.index_cast %parallel_loop3A_292 : i32 to index
        %parallel_loop3A_295 = arith.index_cast %parallel_loop3A_279 : i32 to index
        %parallel_loop3A_296 = tpu.vector_load %arg6[%parallel_loop3A_293, %parallel_loop3A_294, %parallel_loop3A_295] {strides = array<i32>} : memref<4x2x12800xf32, #tpu.memory_space<vmem>>, vector<1x1x16xf32>,
        %parallel_loop3A_297 = vector.shape_cast %parallel_loop3A_296 : vector<1x1x16xf32> to vector<16xf32>
        %parallel_loop3A_298 = vector.shape_cast %parallel_loop3A_290 : vector<16xf32> to vector<1x1x16xf32>
        tpu.vector_store %arg6[%parallel_loop3A_293, %parallel_loop3A_294, %parallel_loop3A_295], %parallel_loop3A_298 {strides = array<i32>} : memref<4x2x12800xf32, #tpu.memory_space<vmem>>, vector<1x1x16xf32>,
        %parallel_loop3A_299 = arith.constant 1 : i32
        %parallel_loop3A_300 = arith.constant 1 : i32
        %parallel_loop3A_301 = arith.index_cast %parallel_loop3A_299 : i32 to index
        %parallel_loop3A_302 = arith.index_cast %parallel_loop3A_300 : i32 to index
        %parallel_loop3A_303 = arith.index_cast %parallel_loop3A_279 : i32 to index
        %parallel_loop3A_304 = tpu.vector_load %arg6[%parallel_loop3A_301, %parallel_loop3A_302, %parallel_loop3A_303] {strides = array<i32>} : memref<4x2x12800xf32, #tpu.memory_space<vmem>>, vector<1x1x16xf32>,
        %parallel_loop3A_305 = vector.shape_cast %parallel_loop3A_304 : vector<1x1x16xf32> to vector<16xf32>
        %parallel_loop3A_306 = arith.addf %parallel_loop3A_305, %parallel_loop3A_282 : vector<16xf32>
        %parallel_loop3A_307 = arith.constant 1 : i32
        %parallel_loop3A_308 = arith.constant 1 : i32
        %parallel_loop3A_309 = arith.index_cast %parallel_loop3A_307 : i32 to index
        %parallel_loop3A_310 = arith.index_cast %parallel_loop3A_308 : i32 to index
        %parallel_loop3A_311 = arith.index_cast %parallel_loop3A_279 : i32 to index
        %parallel_loop3A_312 = tpu.vector_load %arg6[%parallel_loop3A_309, %parallel_loop3A_310, %parallel_loop3A_311] {strides = array<i32>} : memref<4x2x12800xf32, #tpu.memory_space<vmem>>, vector<1x1x16xf32>,
        %parallel_loop3A_313 = vector.shape_cast %parallel_loop3A_312 : vector<1x1x16xf32> to vector<16xf32>
        %parallel_loop3A_314 = vector.shape_cast %parallel_loop3A_306 : vector<16xf32> to vector<1x1x16xf32>
        tpu.vector_store %arg6[%parallel_loop3A_309, %parallel_loop3A_310, %parallel_loop3A_311], %parallel_loop3A_314 {strides = array<i32>} : memref<4x2x12800xf32, #tpu.memory_space<vmem>>, vector<1x1x16xf32>,
      } {sc.loop_unroll_factor = 8 : i64, sc.parallel_access}
      %mul3A_162 = arith.constant 2 : i32
      %mul3A_163 = arith.muli %add3A_142, %mul3A_162 : i32
      %add3A_164 = arith.addi %mul3A_2, %mul3A_163 : i32
      %dma_start3A_165 = arith.constant 1 : i32
      %dma_start3A_166 = arith.constant 0 : i32
      %dma_start3A_167 = arith.constant 0 : i32
      %dma_start3A_168 = tpu.memref_slice %arg6[%dma_start3A_165, %dma_start3A_166, %dma_start3A_167] : memref<4x2x12800xf32, #tpu.memory_space<vmem>> -> memref<1x2x12800xf32, #tpu.memory_space<vmem>>
      %dma_start3A_169 = tpu.memref_squeeze %dma_start3A_168 : memref<1x2x12800xf32, #tpu.memory_space<vmem>> -> memref<2x12800xf32, #tpu.memory_space<vmem>>
      %dma_start3A_170 = arith.constant 0 : i32
      %dma_start3A_171 = tpu.memref_slice %arg4[%add3A_164, %dma_start3A_170] : memref<4096x12800xf32, #tpu.memory_space<hbm>> -> memref<2x12800xf32, #tpu.memory_space<hbm>>
      %dma_start3A_172 = arith.constant 0 : i32
      %dma_start3A_173 = tpu.memref_slice %arg4[%add3A_164, %dma_start3A_172] : memref<4096x12800xf32, #tpu.memory_space<hbm>> -> memref<2x12800xf32, #tpu.memory_space<hbm>>
      %dma_start3A_174 = arith.constant 0 : i32
      %dma_start3A_175 = arith.constant 0 : i32
      %dma_start3A_176 = tpu.memref_slice %arg6[%dma_start3A_165, %dma_start3A_174, %dma_start3A_175] : memref<4x2x12800xf32, #tpu.memory_space<vmem>> -> memref<1x2x12800xf32, #tpu.memory_space<vmem>>
      %dma_start3A_177 = tpu.memref_squeeze %dma_start3A_176 : memref<1x2x12800xf32, #tpu.memory_space<vmem>> -> memref<2x12800xf32, #tpu.memory_space<vmem>>
      tpu.enqueue_dma source(%dma_start3A_177 : memref<2x12800xf32, #tpu.memory_space<vmem>>) target(%dma_start3A_173 : memref<2x12800xf32, #tpu.memory_space<hbm>>) target_semaphore(%arg12 : memref<!tpu.dma_semaphore, #tpu.memory_space<semaphore_mem>>)
      %add3A_178 = arith.constant 2 : i32
      %add3A_179 = arith.addi %add3A_142, %add3A_178 : i32
      %lt3A_180 = arith.constant 64 : i32
      %lt3A_181 = arith.cmpi slt, %add3A_179, %lt3A_180 : i32
      %convert_element_type3A_182 = arith.extui %lt3A_181 : i1 to i32
      %cond3A_183 = arith.constant 0 : i32
      %cond3A_184 = arith.cmpi ne, %convert_element_type3A_182, %cond3A_183 : i32
      scf.if %cond3A_184 {
        %ge3A = arith.constant 2 : i32
        %ge3A_277 = arith.cmpi sge, %add3A_142, %ge3A : i32
        %convert_element_type3A_278 = arith.extui %ge3A_277 : i1 to i32
        %cond3A_279 = arith.constant 0 : i32
        %cond3A_280 = arith.cmpi ne, %convert_element_type3A_278, %cond3A_279 : i32
        scf.if %cond3A_280 {
          %sub3A = arith.constant 2 : i32
          %sub3A_299 = arith.subi %add3A_142, %sub3A : i32
          %mul3A_300 = arith.constant 2 : i32
          %mul3A_301 = arith.muli %sub3A_299, %mul3A_300 : i32
          %add3A_302 = arith.addi %mul3A_2, %mul3A_301 : i32
          %dma_wait3A_303 = arith.constant 3 : i32
          %dma_wait3A_304 = arith.constant 0 : i32
          %dma_wait3A_305 = arith.constant 0 : i32
          %dma_wait3A_306 = tpu.memref_slice %arg6[%dma_wait3A_303, %dma_wait3A_304, %dma_wait3A_305] : memref<4x2x12800xf32, #tpu.memory_space<vmem>> -> memref<1x2x12800xf32, #tpu.memory_space<vmem>>
          %dma_wait3A_307 = tpu.memref_squeeze %dma_wait3A_306 : memref<1x2x12800xf32, #tpu.memory_space<vmem>> -> memref<2x12800xf32, #tpu.memory_space<vmem>>
          %dma_wait3A_308 = arith.constant 0 : i32
          %dma_wait3A_309 = tpu.memref_slice %arg4[%add3A_302, %dma_wait3A_308] : memref<4096x12800xf32, #tpu.memory_space<hbm>> -> memref<2x12800xf32, #tpu.memory_space<hbm>>
          %dma_wait3A_310 = arith.constant 0 : i32
          %dma_wait3A_311 = tpu.memref_slice %arg4[%add3A_302, %dma_wait3A_310] : memref<4096x12800xf32, #tpu.memory_space<hbm>> -> memref<2x12800xf32, #tpu.memory_space<hbm>>
          %dma_wait3A_312 = arith.constant 0 : i32
          %dma_wait3A_313 = arith.constant 0 : i32
          %dma_wait3A_314 = tpu.memref_slice %arg6[%dma_wait3A_303, %dma_wait3A_312, %dma_wait3A_313] : memref<4x2x12800xf32, #tpu.memory_space<vmem>> -> memref<1x2x12800xf32, #tpu.memory_space<vmem>>
          %dma_wait3A_315 = tpu.memref_squeeze %dma_wait3A_314 : memref<1x2x12800xf32, #tpu.memory_space<vmem>> -> memref<2x12800xf32, #tpu.memory_space<vmem>>
          tpu.wait_dma2 semaphore(%arg14 : memref<!tpu.dma_semaphore, #tpu.memory_space<semaphore_mem>>) src(%dma_wait3A_315 : memref<2x12800xf32, #tpu.memory_space<vmem>>) dst(%dma_wait3A_311 : memref<2x12800xf32, #tpu.memory_space<hbm>>)
        } else {
        }
        %add3A_281 = arith.constant 2 : i32
        %add3A_282 = arith.addi %add3A_142, %add3A_281 : i32
        %mul3A_283 = arith.constant 2 : i32
        %mul3A_284 = arith.muli %add3A_282, %mul3A_283 : i32
        %add3A_285 = arith.addi %mul3A_2, %mul3A_284 : i32
        %dma_start3A_286 = arith.constant 3 : i32
        %dma_start3A_287 = arith.constant 0 : i32
        %dma_start3A_288 = arith.constant 0 : i32
        %dma_start3A_289 = tpu.memref_slice %arg6[%dma_start3A_286, %dma_start3A_287, %dma_start3A_288] : memref<4x2x12800xf32, #tpu.memory_space<vmem>> -> memref<1x2x12800xf32, #tpu.memory_space<vmem>>
        %dma_start3A_290 = tpu.memref_squeeze %dma_start3A_289 : memref<1x2x12800xf32, #tpu.memory_space<vmem>> -> memref<2x12800xf32, #tpu.memory_space<vmem>>
        %dma_start3A_291 = arith.constant 0 : i32
        %dma_start3A_292 = tpu.memref_slice %arg2[%add3A_285, %dma_start3A_291] : memref<4096x12800xf32, #tpu.memory_space<hbm>> -> memref<2x12800xf32, #tpu.memory_space<hbm>>
        %dma_start3A_293 = arith.constant 0 : i32
        %dma_start3A_294 = arith.constant 0 : i32
        %dma_start3A_295 = tpu.memref_slice %arg6[%dma_start3A_286, %dma_start3A_293, %dma_start3A_294] : memref<4x2x12800xf32, #tpu.memory_space<vmem>> -> memref<1x2x12800xf32, #tpu.memory_space<vmem>>
        %dma_start3A_296 = tpu.memref_squeeze %dma_start3A_295 : memref<1x2x12800xf32, #tpu.memory_space<vmem>> -> memref<2x12800xf32, #tpu.memory_space<vmem>>
        %dma_start3A_297 = arith.constant 0 : i32
        %dma_start3A_298 = tpu.memref_slice %arg2[%add3A_285, %dma_start3A_297] : memref<4096x12800xf32, #tpu.memory_space<hbm>> -> memref<2x12800xf32, #tpu.memory_space<hbm>>
        tpu.enqueue_dma source(%dma_start3A_298 : memref<2x12800xf32, #tpu.memory_space<hbm>>) target(%dma_start3A_296 : memref<2x12800xf32, #tpu.memory_space<vmem>>) target_semaphore(%arg10 : memref<!tpu.dma_semaphore, #tpu.memory_space<semaphore_mem>>)
      } else {
      }
      %mul3A_185 = arith.constant 4 : i32
      %mul3A_186 = arith.muli %scan3A_96, %mul3A_185 : i32
      %add3A_187 = arith.constant 2 : i32
      %add3A_188 = arith.addi %mul3A_186, %add3A_187 : i32
      %mul3A_189 = arith.constant 2 : i32
      %mul3A_190 = arith.muli %add3A_188, %mul3A_189 : i32
      %add3A_191 = arith.addi %mul3A_2, %mul3A_190 : i32
      %dma_wait3A_192 = arith.constant 2 : i32
      %dma_wait3A_193 = arith.constant 0 : i32
      %dma_wait3A_194 = arith.constant 0 : i32
      %dma_wait3A_195 = tpu.memref_slice %arg6[%dma_wait3A_192, %dma_wait3A_193, %dma_wait3A_194] : memref<4x2x12800xf32, #tpu.memory_space<vmem>> -> memref<1x2x12800xf32, #tpu.memory_space<vmem>>
      %dma_wait3A_196 = tpu.memref_squeeze %dma_wait3A_195 : memref<1x2x12800xf32, #tpu.memory_space<vmem>> -> memref<2x12800xf32, #tpu.memory_space<vmem>>
      %dma_wait3A_197 = arith.constant 0 : i32
      %dma_wait3A_198 = tpu.memref_slice %arg2[%add3A_191, %dma_wait3A_197] : memref<4096x12800xf32, #tpu.memory_space<hbm>> -> memref<2x12800xf32, #tpu.memory_space<hbm>>
      %dma_wait3A_199 = arith.constant 0 : i32
      %dma_wait3A_200 = arith.constant 0 : i32
      %dma_wait3A_201 = tpu.memref_slice %arg6[%dma_wait3A_192, %dma_wait3A_199, %dma_wait3A_200] : memref<4x2x12800xf32, #tpu.memory_space<vmem>> -> memref<1x2x12800xf32, #tpu.memory_space<vmem>>
      %dma_wait3A_202 = tpu.memref_squeeze %dma_wait3A_201 : memref<1x2x12800xf32, #tpu.memory_space<vmem>> -> memref<2x12800xf32, #tpu.memory_space<vmem>>
      %dma_wait3A_203 = arith.constant 0 : i32
      %dma_wait3A_204 = tpu.memref_slice %arg2[%add3A_191, %dma_wait3A_203] : memref<4096x12800xf32, #tpu.memory_space<hbm>> -> memref<2x12800xf32, #tpu.memory_space<hbm>>
      tpu.wait_dma2 semaphore(%arg9 : memref<!tpu.dma_semaphore, #tpu.memory_space<semaphore_mem>>) src(%dma_wait3A_204 : memref<2x12800xf32, #tpu.memory_space<hbm>>) dst(%dma_wait3A_202 : memref<2x12800xf32, #tpu.memory_space<vmem>>)
      %parallel_loop3A_205 = arith.constant 0 : i32
      %parallel_loop3A_206 = arith.constant 800 : i32
      %parallel_loop3A_207 = arith.constant 1 : i32
      scf.for %parallel_loop3A_277 = %parallel_loop3A_205 to %parallel_loop3A_206 step %parallel_loop3A_207  : i32 {
        %parallel_loop3A_278 = arith.constant 16 : i32
        %parallel_loop3A_279 = arith.muli %parallel_loop3A_277, %parallel_loop3A_278 : i32
        %parallel_loop3A_280 = arith.index_cast %parallel_loop3A_279 : i32 to index
        %parallel_loop3A_281 = tpu.vector_load %arg5[%parallel_loop3A_280] {strides = array<i32>} : memref<12800xf32, #tpu.memory_space<vmem>>, vector<16xf32>,
        %parallel_loop3A_282 = vector.shape_cast %parallel_loop3A_281 : vector<16xf32> to vector<16xf32>
        %parallel_loop3A_283 = arith.constant 2 : i32
        %parallel_loop3A_284 = arith.constant 0 : i32
        %parallel_loop3A_285 = arith.index_cast %parallel_loop3A_283 : i32 to index
        %parallel_loop3A_286 = arith.index_cast %parallel_loop3A_284 : i32 to index
        %parallel_loop3A_287 = arith.index_cast %parallel_loop3A_279 : i32 to index
        %parallel_loop3A_288 = tpu.vector_load %arg6[%parallel_loop3A_285, %parallel_loop3A_286, %parallel_loop3A_287] {strides = array<i32>} : memref<4x2x12800xf32, #tpu.memory_space<vmem>>, vector<1x1x16xf32>,
        %parallel_loop3A_289 = vector.shape_cast %parallel_loop3A_288 : vector<1x1x16xf32> to vector<16xf32>
        %parallel_loop3A_290 = arith.addf %parallel_loop3A_289, %parallel_loop3A_282 : vector<16xf32>
        %parallel_loop3A_291 = arith.constant 2 : i32
        %parallel_loop3A_292 = arith.constant 0 : i32
        %parallel_loop3A_293 = arith.index_cast %parallel_loop3A_291 : i32 to index
        %parallel_loop3A_294 = arith.index_cast %parallel_loop3A_292 : i32 to index
        %parallel_loop3A_295 = arith.index_cast %parallel_loop3A_279 : i32 to index
        %parallel_loop3A_296 = tpu.vector_load %arg6[%parallel_loop3A_293, %parallel_loop3A_294, %parallel_loop3A_295] {strides = array<i32>} : memref<4x2x12800xf32, #tpu.memory_space<vmem>>, vector<1x1x16xf32>,
        %parallel_loop3A_297 = vector.shape_cast %parallel_loop3A_296 : vector<1x1x16xf32> to vector<16xf32>
        %parallel_loop3A_298 = vector.shape_cast %parallel_loop3A_290 : vector<16xf32> to vector<1x1x16xf32>
        tpu.vector_store %arg6[%parallel_loop3A_293, %parallel_loop3A_294, %parallel_loop3A_295], %parallel_loop3A_298 {strides = array<i32>} : memref<4x2x12800xf32, #tpu.memory_space<vmem>>, vector<1x1x16xf32>,
        %parallel_loop3A_299 = arith.constant 2 : i32
        %parallel_loop3A_300 = arith.constant 1 : i32
        %parallel_loop3A_301 = arith.index_cast %parallel_loop3A_299 : i32 to index
        %parallel_loop3A_302 = arith.index_cast %parallel_loop3A_300 : i32 to index
        %parallel_loop3A_303 = arith.index_cast %parallel_loop3A_279 : i32 to index
        %parallel_loop3A_304 = tpu.vector_load %arg6[%parallel_loop3A_301, %parallel_loop3A_302, %parallel_loop3A_303] {strides = array<i32>} : memref<4x2x12800xf32, #tpu.memory_space<vmem>>, vector<1x1x16xf32>,
        %parallel_loop3A_305 = vector.shape_cast %parallel_loop3A_304 : vector<1x1x16xf32> to vector<16xf32>
        %parallel_loop3A_306 = arith.addf %parallel_loop3A_305, %parallel_loop3A_282 : vector<16xf32>
        %parallel_loop3A_307 = arith.constant 2 : i32
        %parallel_loop3A_308 = arith.constant 1 : i32
        %parallel_loop3A_309 = arith.index_cast %parallel_loop3A_307 : i32 to index
        %parallel_loop3A_310 = arith.index_cast %parallel_loop3A_308 : i32 to index
        %parallel_loop3A_311 = arith.index_cast %parallel_loop3A_279 : i32 to index
        %parallel_loop3A_312 = tpu.vector_load %arg6[%parallel_loop3A_309, %parallel_loop3A_310, %parallel_loop3A_311] {strides = array<i32>} : memref<4x2x12800xf32, #tpu.memory_space<vmem>>, vector<1x1x16xf32>,
        %parallel_loop3A_313 = vector.shape_cast %parallel_loop3A_312 : vector<1x1x16xf32> to vector<16xf32>
        %parallel_loop3A_314 = vector.shape_cast %parallel_loop3A_306 : vector<16xf32> to vector<1x1x16xf32>
        tpu.vector_store %arg6[%parallel_loop3A_309, %parallel_loop3A_310, %parallel_loop3A_311], %parallel_loop3A_314 {strides = array<i32>} : memref<4x2x12800xf32, #tpu.memory_space<vmem>>, vector<1x1x16xf32>,
      } {sc.loop_unroll_factor = 8 : i64, sc.parallel_access}
      %mul3A_208 = arith.constant 2 : i32
      %mul3A_209 = arith.muli %add3A_188, %mul3A_208 : i32
      %add3A_210 = arith.addi %mul3A_2, %mul3A_209 : i32
      %dma_start3A_211 = arith.constant 2 : i32
      %dma_start3A_212 = arith.constant 0 : i32
      %dma_start3A_213 = arith.constant 0 : i32
      %dma_start3A_214 = tpu.memref_slice %arg6[%dma_start3A_211, %dma_start3A_212, %dma_start3A_213] : memref<4x2x12800xf32, #tpu.memory_space<vmem>> -> memref<1x2x12800xf32, #tpu.memory_space<vmem>>
      %dma_start3A_215 = tpu.memref_squeeze %dma_start3A_214 : memref<1x2x12800xf32, #tpu.memory_space<vmem>> -> memref<2x12800xf32, #tpu.memory_space<vmem>>
      %dma_start3A_216 = arith.constant 0 : i32
      %dma_start3A_217 = tpu.memref_slice %arg4[%add3A_210, %dma_start3A_216] : memref<4096x12800xf32, #tpu.memory_space<hbm>> -> memref<2x12800xf32, #tpu.memory_space<hbm>>
      %dma_start3A_218 = arith.constant 0 : i32
      %dma_start3A_219 = tpu.memref_slice %arg4[%add3A_210, %dma_start3A_218] : memref<4096x12800xf32, #tpu.memory_space<hbm>> -> memref<2x12800xf32, #tpu.memory_space<hbm>>
      %dma_start3A_220 = arith.constant 0 : i32
      %dma_start3A_221 = arith.constant 0 : i32
      %dma_start3A_222 = tpu.memref_slice %arg6[%dma_start3A_211, %dma_start3A_220, %dma_start3A_221] : memref<4x2x12800xf32, #tpu.memory_space<vmem>> -> memref<1x2x12800xf32, #tpu.memory_space<vmem>>
      %dma_start3A_223 = tpu.memref_squeeze %dma_start3A_222 : memref<1x2x12800xf32, #tpu.memory_space<vmem>> -> memref<2x12800xf32, #tpu.memory_space<vmem>>
      tpu.enqueue_dma source(%dma_start3A_223 : memref<2x12800xf32, #tpu.memory_space<vmem>>) target(%dma_start3A_219 : memref<2x12800xf32, #tpu.memory_space<hbm>>) target_semaphore(%arg13 : memref<!tpu.dma_semaphore, #tpu.memory_space<semaphore_mem>>)
      %add3A_224 = arith.constant 2 : i32
      %add3A_225 = arith.addi %add3A_188, %add3A_224 : i32
      %lt3A_226 = arith.constant 64 : i32
      %lt3A_227 = arith.cmpi slt, %add3A_225, %lt3A_226 : i32
      %convert_element_type3A_228 = arith.extui %lt3A_227 : i1 to i32
      %cond3A_229 = arith.constant 0 : i32
      %cond3A_230 = arith.cmpi ne, %convert_element_type3A_228, %cond3A_229 : i32
      scf.if %cond3A_230 {
        %ge3A = arith.constant 2 : i32
        %ge3A_277 = arith.cmpi sge, %add3A_188, %ge3A : i32
        %convert_element_type3A_278 = arith.extui %ge3A_277 : i1 to i32
        %cond3A_279 = arith.constant 0 : i32
        %cond3A_280 = arith.cmpi ne, %convert_element_type3A_278, %cond3A_279 : i32
        scf.if %cond3A_280 {
          %sub3A = arith.constant 2 : i32
          %sub3A_299 = arith.subi %add3A_188, %sub3A : i32
          %mul3A_300 = arith.constant 2 : i32
          %mul3A_301 = arith.muli %sub3A_299, %mul3A_300 : i32
          %add3A_302 = arith.addi %mul3A_2, %mul3A_301 : i32
          %dma_wait3A_303 = arith.constant 0 : i32
          %dma_wait3A_304 = arith.constant 0 : i32
          %dma_wait3A_305 = arith.constant 0 : i32
          %dma_wait3A_306 = tpu.memref_slice %arg6[%dma_wait3A_303, %dma_wait3A_304, %dma_wait3A_305] : memref<4x2x12800xf32, #tpu.memory_space<vmem>> -> memref<1x2x12800xf32, #tpu.memory_space<vmem>>
          %dma_wait3A_307 = tpu.memref_squeeze %dma_wait3A_306 : memref<1x2x12800xf32, #tpu.memory_space<vmem>> -> memref<2x12800xf32, #tpu.memory_space<vmem>>
          %dma_wait3A_308 = arith.constant 0 : i32
          %dma_wait3A_309 = tpu.memref_slice %arg4[%add3A_302, %dma_wait3A_308] : memref<4096x12800xf32, #tpu.memory_space<hbm>> -> memref<2x12800xf32, #tpu.memory_space<hbm>>
          %dma_wait3A_310 = arith.constant 0 : i32
          %dma_wait3A_311 = tpu.memref_slice %arg4[%add3A_302, %dma_wait3A_310] : memref<4096x12800xf32, #tpu.memory_space<hbm>> -> memref<2x12800xf32, #tpu.memory_space<hbm>>
          %dma_wait3A_312 = arith.constant 0 : i32
          %dma_wait3A_313 = arith.constant 0 : i32
          %dma_wait3A_314 = tpu.memref_slice %arg6[%dma_wait3A_303, %dma_wait3A_312, %dma_wait3A_313] : memref<4x2x12800xf32, #tpu.memory_space<vmem>> -> memref<1x2x12800xf32, #tpu.memory_space<vmem>>
          %dma_wait3A_315 = tpu.memref_squeeze %dma_wait3A_314 : memref<1x2x12800xf32, #tpu.memory_space<vmem>> -> memref<2x12800xf32, #tpu.memory_space<vmem>>
          tpu.wait_dma2 semaphore(%arg11 : memref<!tpu.dma_semaphore, #tpu.memory_space<semaphore_mem>>) src(%dma_wait3A_315 : memref<2x12800xf32, #tpu.memory_space<vmem>>) dst(%dma_wait3A_311 : memref<2x12800xf32, #tpu.memory_space<hbm>>)
        } else {
        }
        %add3A_281 = arith.constant 2 : i32
        %add3A_282 = arith.addi %add3A_188, %add3A_281 : i32
        %mul3A_283 = arith.constant 2 : i32
        %mul3A_284 = arith.muli %add3A_282, %mul3A_283 : i32
        %add3A_285 = arith.addi %mul3A_2, %mul3A_284 : i32
        %dma_start3A_286 = arith.constant 0 : i32
        %dma_start3A_287 = arith.constant 0 : i32
        %dma_start3A_288 = arith.constant 0 : i32
        %dma_start3A_289 = tpu.memref_slice %arg6[%dma_start3A_286, %dma_start3A_287, %dma_start3A_288] : memref<4x2x12800xf32, #tpu.memory_space<vmem>> -> memref<1x2x12800xf32, #tpu.memory_space<vmem>>
        %dma_start3A_290 = tpu.memref_squeeze %dma_start3A_289 : memref<1x2x12800xf32, #tpu.memory_space<vmem>> -> memref<2x12800xf32, #tpu.memory_space<vmem>>
        %dma_start3A_291 = arith.constant 0 : i32
        %dma_start3A_292 = tpu.memref_slice %arg2[%add3A_285, %dma_start3A_291] : memref<4096x12800xf32, #tpu.memory_space<hbm>> -> memref<2x12800xf32, #tpu.memory_space<hbm>>
        %dma_start3A_293 = arith.constant 0 : i32
        %dma_start3A_294 = arith.constant 0 : i32
        %dma_start3A_295 = tpu.memref_slice %arg6[%dma_start3A_286, %dma_start3A_293, %dma_start3A_294] : memref<4x2x12800xf32, #tpu.memory_space<vmem>> -> memref<1x2x12800xf32, #tpu.memory_space<vmem>>
        %dma_start3A_296 = tpu.memref_squeeze %dma_start3A_295 : memref<1x2x12800xf32, #tpu.memory_space<vmem>> -> memref<2x12800xf32, #tpu.memory_space<vmem>>
        %dma_start3A_297 = arith.constant 0 : i32
        %dma_start3A_298 = tpu.memref_slice %arg2[%add3A_285, %dma_start3A_297] : memref<4096x12800xf32, #tpu.memory_space<hbm>> -> memref<2x12800xf32, #tpu.memory_space<hbm>>
        tpu.enqueue_dma source(%dma_start3A_298 : memref<2x12800xf32, #tpu.memory_space<hbm>>) target(%dma_start3A_296 : memref<2x12800xf32, #tpu.memory_space<vmem>>) target_semaphore(%arg7 : memref<!tpu.dma_semaphore, #tpu.memory_space<semaphore_mem>>)
      } else {
      }
      %mul3A_231 = arith.constant 4 : i32
      %mul3A_232 = arith.muli %scan3A_96, %mul3A_231 : i32
      %add3A_233 = arith.constant 3 : i32
      %add3A_234 = arith.addi %mul3A_232, %add3A_233 : i32
      %mul3A_235 = arith.constant 2 : i32
      %mul3A_236 = arith.muli %add3A_234, %mul3A_235 : i32
      %add3A_237 = arith.addi %mul3A_2, %mul3A_236 : i32
      %dma_wait3A_238 = arith.constant 3 : i32
      %dma_wait3A_239 = arith.constant 0 : i32
      %dma_wait3A_240 = arith.constant 0 : i32
      %dma_wait3A_241 = tpu.memref_slice %arg6[%dma_wait3A_238, %dma_wait3A_239, %dma_wait3A_240] : memref<4x2x12800xf32, #tpu.memory_space<vmem>> -> memref<1x2x12800xf32, #tpu.memory_space<vmem>>
      %dma_wait3A_242 = tpu.memref_squeeze %dma_wait3A_241 : memref<1x2x12800xf32, #tpu.memory_space<vmem>> -> memref<2x12800xf32, #tpu.memory_space<vmem>>
      %dma_wait3A_243 = arith.constant 0 : i32
      %dma_wait3A_244 = tpu.memref_slice %arg2[%add3A_237, %dma_wait3A_243] : memref<4096x12800xf32, #tpu.memory_space<hbm>> -> memref<2x12800xf32, #tpu.memory_space<hbm>>
      %dma_wait3A_245 = arith.constant 0 : i32
      %dma_wait3A_246 = arith.constant 0 : i32
      %dma_wait3A_247 = tpu.memref_slice %arg6[%dma_wait3A_238, %dma_wait3A_245, %dma_wait3A_246] : memref<4x2x12800xf32, #tpu.memory_space<vmem>> -> memref<1x2x12800xf32, #tpu.memory_space<vmem>>
      %dma_wait3A_248 = tpu.memref_squeeze %dma_wait3A_247 : memref<1x2x12800xf32, #tpu.memory_space<vmem>> -> memref<2x12800xf32, #tpu.memory_space<vmem>>
      %dma_wait3A_249 = arith.constant 0 : i32
      %dma_wait3A_250 = tpu.memref_slice %arg2[%add3A_237, %dma_wait3A_249] : memref<4096x12800xf32, #tpu.memory_space<hbm>> -> memref<2x12800xf32, #tpu.memory_space<hbm>>
      tpu.wait_dma2 semaphore(%arg10 : memref<!tpu.dma_semaphore, #tpu.memory_space<semaphore_mem>>) src(%dma_wait3A_250 : memref<2x12800xf32, #tpu.memory_space<hbm>>) dst(%dma_wait3A_248 : memref<2x12800xf32, #tpu.memory_space<vmem>>)
      %parallel_loop3A_251 = arith.constant 0 : i32
      %parallel_loop3A_252 = arith.constant 800 : i32
      %parallel_loop3A_253 = arith.constant 1 : i32
      scf.for %parallel_loop3A_277 = %parallel_loop3A_251 to %parallel_loop3A_252 step %parallel_loop3A_253  : i32 {
        %parallel_loop3A_278 = arith.constant 16 : i32
        %parallel_loop3A_279 = arith.muli %parallel_loop3A_277, %parallel_loop3A_278 : i32
        %parallel_loop3A_280 = arith.index_cast %parallel_loop3A_279 : i32 to index
        %parallel_loop3A_281 = tpu.vector_load %arg5[%parallel_loop3A_280] {strides = array<i32>} : memref<12800xf32, #tpu.memory_space<vmem>>, vector<16xf32>,
        %parallel_loop3A_282 = vector.shape_cast %parallel_loop3A_281 : vector<16xf32> to vector<16xf32>
        %parallel_loop3A_283 = arith.constant 3 : i32
        %parallel_loop3A_284 = arith.constant 0 : i32
        %parallel_loop3A_285 = arith.index_cast %parallel_loop3A_283 : i32 to index
        %parallel_loop3A_286 = arith.index_cast %parallel_loop3A_284 : i32 to index
        %parallel_loop3A_287 = arith.index_cast %parallel_loop3A_279 : i32 to index
        %parallel_loop3A_288 = tpu.vector_load %arg6[%parallel_loop3A_285, %parallel_loop3A_286, %parallel_loop3A_287] {strides = array<i32>} : memref<4x2x12800xf32, #tpu.memory_space<vmem>>, vector<1x1x16xf32>,
        %parallel_loop3A_289 = vector.shape_cast %parallel_loop3A_288 : vector<1x1x16xf32> to vector<16xf32>
        %parallel_loop3A_290 = arith.addf %parallel_loop3A_289, %parallel_loop3A_282 : vector<16xf32>
        %parallel_loop3A_291 = arith.constant 3 : i32
        %parallel_loop3A_292 = arith.constant 0 : i32
        %parallel_loop3A_293 = arith.index_cast %parallel_loop3A_291 : i32 to index
        %parallel_loop3A_294 = arith.index_cast %parallel_loop3A_292 : i32 to index
        %parallel_loop3A_295 = arith.index_cast %parallel_loop3A_279 : i32 to index
        %parallel_loop3A_296 = tpu.vector_load %arg6[%parallel_loop3A_293, %parallel_loop3A_294, %parallel_loop3A_295] {strides = array<i32>} : memref<4x2x12800xf32, #tpu.memory_space<vmem>>, vector<1x1x16xf32>,
        %parallel_loop3A_297 = vector.shape_cast %parallel_loop3A_296 : vector<1x1x16xf32> to vector<16xf32>
        %parallel_loop3A_298 = vector.shape_cast %parallel_loop3A_290 : vector<16xf32> to vector<1x1x16xf32>
        tpu.vector_store %arg6[%parallel_loop3A_293, %parallel_loop3A_294, %parallel_loop3A_295], %parallel_loop3A_298 {strides = array<i32>} : memref<4x2x12800xf32, #tpu.memory_space<vmem>>, vector<1x1x16xf32>,
        %parallel_loop3A_299 = arith.constant 3 : i32
        %parallel_loop3A_300 = arith.constant 1 : i32
        %parallel_loop3A_301 = arith.index_cast %parallel_loop3A_299 : i32 to index
        %parallel_loop3A_302 = arith.index_cast %parallel_loop3A_300 : i32 to index
        %parallel_loop3A_303 = arith.index_cast %parallel_loop3A_279 : i32 to index
        %parallel_loop3A_304 = tpu.vector_load %arg6[%parallel_loop3A_301, %parallel_loop3A_302, %parallel_loop3A_303] {strides = array<i32>} : memref<4x2x12800xf32, #tpu.memory_space<vmem>>, vector<1x1x16xf32>,
        %parallel_loop3A_305 = vector.shape_cast %parallel_loop3A_304 : vector<1x1x16xf32> to vector<16xf32>
        %parallel_loop3A_306 = arith.addf %parallel_loop3A_305, %parallel_loop3A_282 : vector<16xf32>
        %parallel_loop3A_307 = arith.constant 3 : i32
        %parallel_loop3A_308 = arith.constant 1 : i32
        %parallel_loop3A_309 = arith.index_cast %parallel_loop3A_307 : i32 to index
        %parallel_loop3A_310 = arith.index_cast %parallel_loop3A_308 : i32 to index
        %parallel_loop3A_311 = arith.index_cast %parallel_loop3A_279 : i32 to index
        %parallel_loop3A_312 = tpu.vector_load %arg6[%parallel_loop3A_309, %parallel_loop3A_310, %parallel_loop3A_311] {strides = array<i32>} : memref<4x2x12800xf32, #tpu.memory_space<vmem>>, vector<1x1x16xf32>,
        %parallel_loop3A_313 = vector.shape_cast %parallel_loop3A_312 : vector<1x1x16xf32> to vector<16xf32>
        %parallel_loop3A_314 = vector.shape_cast %parallel_loop3A_306 : vector<16xf32> to vector<1x1x16xf32>
        tpu.vector_store %arg6[%parallel_loop3A_309, %parallel_loop3A_310, %parallel_loop3A_311], %parallel_loop3A_314 {strides = array<i32>} : memref<4x2x12800xf32, #tpu.memory_space<vmem>>, vector<1x1x16xf32>,
      } {sc.loop_unroll_factor = 8 : i64, sc.parallel_access}
      %mul3A_254 = arith.constant 2 : i32
      %mul3A_255 = arith.muli %add3A_234, %mul3A_254 : i32
      %add3A_256 = arith.addi %mul3A_2, %mul3A_255 : i32
      %dma_start3A_257 = arith.constant 3 : i32
      %dma_start3A_258 = arith.constant 0 : i32
      %dma_start3A_259 = arith.constant 0 : i32
      %dma_start3A_260 = tpu.memref_slice %arg6[%dma_start3A_257, %dma_start3A_258, %dma_start3A_259] : memref<4x2x12800xf32, #tpu.memory_space<vmem>> -> memref<1x2x12800xf32, #tpu.memory_space<vmem>>
      %dma_start3A_261 = tpu.memref_squeeze %dma_start3A_260 : memref<1x2x12800xf32, #tpu.memory_space<vmem>> -> memref<2x12800xf32, #tpu.memory_space<vmem>>
      %dma_start3A_262 = arith.constant 0 : i32
      %dma_start3A_263 = tpu.memref_slice %arg4[%add3A_256, %dma_start3A_262] : memref<4096x12800xf32, #tpu.memory_space<hbm>> -> memref<2x12800xf32, #tpu.memory_space<hbm>>
      %dma_start3A_264 = arith.constant 0 : i32
      %dma_start3A_265 = tpu.memref_slice %arg4[%add3A_256, %dma_start3A_264] : memref<4096x12800xf32, #tpu.memory_space<hbm>> -> memref<2x12800xf32, #tpu.memory_space<hbm>>
      %dma_start3A_266 = arith.constant 0 : i32
      %dma_start3A_267 = arith.constant 0 : i32
      %dma_start3A_268 = tpu.memref_slice %arg6[%dma_start3A_257, %dma_start3A_266, %dma_start3A_267] : memref<4x2x12800xf32, #tpu.memory_space<vmem>> -> memref<1x2x12800xf32, #tpu.memory_space<vmem>>
      %dma_start3A_269 = tpu.memref_squeeze %dma_start3A_268 : memref<1x2x12800xf32, #tpu.memory_space<vmem>> -> memref<2x12800xf32, #tpu.memory_space<vmem>>
      tpu.enqueue_dma source(%dma_start3A_269 : memref<2x12800xf32, #tpu.memory_space<vmem>>) target(%dma_start3A_265 : memref<2x12800xf32, #tpu.memory_space<hbm>>) target_semaphore(%arg14 : memref<!tpu.dma_semaphore, #tpu.memory_space<semaphore_mem>>)
      %add3A_270 = arith.constant 2 : i32
      %add3A_271 = arith.addi %add3A_234, %add3A_270 : i32
      %lt3A_272 = arith.constant 64 : i32
      %lt3A_273 = arith.cmpi slt, %add3A_271, %lt3A_272 : i32
      %convert_element_type3A_274 = arith.extui %lt3A_273 : i1 to i32
      %cond3A_275 = arith.constant 0 : i32
      %cond3A_276 = arith.cmpi ne, %convert_element_type3A_274, %cond3A_275 : i32
      scf.if %cond3A_276 {
        %ge3A = arith.constant 2 : i32
        %ge3A_277 = arith.cmpi sge, %add3A_234, %ge3A : i32
        %convert_element_type3A_278 = arith.extui %ge3A_277 : i1 to i32
        %cond3A_279 = arith.constant 0 : i32
        %cond3A_280 = arith.cmpi ne, %convert_element_type3A_278, %cond3A_279 : i32
        scf.if %cond3A_280 {
          %sub3A = arith.constant 2 : i32
          %sub3A_299 = arith.subi %add3A_234, %sub3A : i32
          %mul3A_300 = arith.constant 2 : i32
          %mul3A_301 = arith.muli %sub3A_299, %mul3A_300 : i32
          %add3A_302 = arith.addi %mul3A_2, %mul3A_301 : i32
          %dma_wait3A_303 = arith.constant 1 : i32
          %dma_wait3A_304 = arith.constant 0 : i32
          %dma_wait3A_305 = arith.constant 0 : i32
          %dma_wait3A_306 = tpu.memref_slice %arg6[%dma_wait3A_303, %dma_wait3A_304, %dma_wait3A_305] : memref<4x2x12800xf32, #tpu.memory_space<vmem>> -> memref<1x2x12800xf32, #tpu.memory_space<vmem>>
          %dma_wait3A_307 = tpu.memref_squeeze %dma_wait3A_306 : memref<1x2x12800xf32, #tpu.memory_space<vmem>> -> memref<2x12800xf32, #tpu.memory_space<vmem>>
          %dma_wait3A_308 = arith.constant 0 : i32
          %dma_wait3A_309 = tpu.memref_slice %arg4[%add3A_302, %dma_wait3A_308] : memref<4096x12800xf32, #tpu.memory_space<hbm>> -> memref<2x12800xf32, #tpu.memory_space<hbm>>
          %dma_wait3A_310 = arith.constant 0 : i32
          %dma_wait3A_311 = tpu.memref_slice %arg4[%add3A_302, %dma_wait3A_310] : memref<4096x12800xf32, #tpu.memory_space<hbm>> -> memref<2x12800xf32, #tpu.memory_space<hbm>>
          %dma_wait3A_312 = arith.constant 0 : i32
          %dma_wait3A_313 = arith.constant 0 : i32
          %dma_wait3A_314 = tpu.memref_slice %arg6[%dma_wait3A_303, %dma_wait3A_312, %dma_wait3A_313] : memref<4x2x12800xf32, #tpu.memory_space<vmem>> -> memref<1x2x12800xf32, #tpu.memory_space<vmem>>
          %dma_wait3A_315 = tpu.memref_squeeze %dma_wait3A_314 : memref<1x2x12800xf32, #tpu.memory_space<vmem>> -> memref<2x12800xf32, #tpu.memory_space<vmem>>
          tpu.wait_dma2 semaphore(%arg12 : memref<!tpu.dma_semaphore, #tpu.memory_space<semaphore_mem>>) src(%dma_wait3A_315 : memref<2x12800xf32, #tpu.memory_space<vmem>>) dst(%dma_wait3A_311 : memref<2x12800xf32, #tpu.memory_space<hbm>>)
        } else {
        }
        %add3A_281 = arith.constant 2 : i32
        %add3A_282 = arith.addi %add3A_234, %add3A_281 : i32
        %mul3A_283 = arith.constant 2 : i32
        %mul3A_284 = arith.muli %add3A_282, %mul3A_283 : i32
        %add3A_285 = arith.addi %mul3A_2, %mul3A_284 : i32
        %dma_start3A_286 = arith.constant 1 : i32
        %dma_start3A_287 = arith.constant 0 : i32
        %dma_start3A_288 = arith.constant 0 : i32
        %dma_start3A_289 = tpu.memref_slice %arg6[%dma_start3A_286, %dma_start3A_287, %dma_start3A_288] : memref<4x2x12800xf32, #tpu.memory_space<vmem>> -> memref<1x2x12800xf32, #tpu.memory_space<vmem>>
        %dma_start3A_290 = tpu.memref_squeeze %dma_start3A_289 : memref<1x2x12800xf32, #tpu.memory_space<vmem>> -> memref<2x12800xf32, #tpu.memory_space<vmem>>
        %dma_start3A_291 = arith.constant 0 : i32
        %dma_start3A_292 = tpu.memref_slice %arg2[%add3A_285, %dma_start3A_291] : memref<4096x12800xf32, #tpu.memory_space<hbm>> -> memref<2x12800xf32, #tpu.memory_space<hbm>>
        %dma_start3A_293 = arith.constant 0 : i32
        %dma_start3A_294 = arith.constant 0 : i32
        %dma_start3A_295 = tpu.memref_slice %arg6[%dma_start3A_286, %dma_start3A_293, %dma_start3A_294] : memref<4x2x12800xf32, #tpu.memory_space<vmem>> -> memref<1x2x12800xf32, #tpu.memory_space<vmem>>
        %dma_start3A_296 = tpu.memref_squeeze %dma_start3A_295 : memref<1x2x12800xf32, #tpu.memory_space<vmem>> -> memref<2x12800xf32, #tpu.memory_space<vmem>>
        %dma_start3A_297 = arith.constant 0 : i32
        %dma_start3A_298 = tpu.memref_slice %arg2[%add3A_285, %dma_start3A_297] : memref<4096x12800xf32, #tpu.memory_space<hbm>> -> memref<2x12800xf32, #tpu.memory_space<hbm>>
        tpu.enqueue_dma source(%dma_start3A_298 : memref<2x12800xf32, #tpu.memory_space<hbm>>) target(%dma_start3A_296 : memref<2x12800xf32, #tpu.memory_space<vmem>>) target_semaphore(%arg8 : memref<!tpu.dma_semaphore, #tpu.memory_space<semaphore_mem>>)
      } else {
      }
    }
    %scan3A_36 = arith.constant 16 : i32
    %add3A_37 = arith.constant 120 : i32
    %add3A_38 = arith.addi %mul3A_2, %add3A_37 : i32
    %dma_wait3A = arith.constant 0 : i32
    %dma_wait3A_39 = arith.constant 0 : i32
    %dma_wait3A_40 = arith.constant 0 : i32
    %dma_wait3A_41 = tpu.memref_slice %arg6[%dma_wait3A, %dma_wait3A_39, %dma_wait3A_40] : memref<4x2x12800xf32, #tpu.memory_space<vmem>> -> memref<1x2x12800xf32, #tpu.memory_space<vmem>>
    %dma_wait3A_42 = tpu.memref_squeeze %dma_wait3A_41 : memref<1x2x12800xf32, #tpu.memory_space<vmem>> -> memref<2x12800xf32, #tpu.memory_space<vmem>>
    %dma_wait3A_43 = arith.constant 0 : i32
    %dma_wait3A_44 = tpu.memref_slice %arg4[%add3A_38, %dma_wait3A_43] : memref<4096x12800xf32, #tpu.memory_space<hbm>> -> memref<2x12800xf32, #tpu.memory_space<hbm>>
    %dma_wait3A_45 = arith.constant 0 : i32
    %dma_wait3A_46 = tpu.memref_slice %arg4[%add3A_38, %dma_wait3A_45] : memref<4096x12800xf32, #tpu.memory_space<hbm>> -> memref<2x12800xf32, #tpu.memory_space<hbm>>
    %dma_wait3A_47 = arith.constant 0 : i32
    %dma_wait3A_48 = arith.constant 0 : i32
    %dma_wait3A_49 = tpu.memref_slice %arg6[%dma_wait3A, %dma_wait3A_47, %dma_wait3A_48] : memref<4x2x12800xf32, #tpu.memory_space<vmem>> -> memref<1x2x12800xf32, #tpu.memory_space<vmem>>
    %dma_wait3A_50 = tpu.memref_squeeze %dma_wait3A_49 : memref<1x2x12800xf32, #tpu.memory_space<vmem>> -> memref<2x12800xf32, #tpu.memory_space<vmem>>
    tpu.wait_dma2 semaphore(%arg11 : memref<!tpu.dma_semaphore, #tpu.memory_space<semaphore_mem>>) src(%dma_wait3A_50 : memref<2x12800xf32, #tpu.memory_space<vmem>>) dst(%dma_wait3A_46 : memref<2x12800xf32, #tpu.memory_space<hbm>>)
    %add3A_51 = arith.constant 122 : i32
    %add3A_52 = arith.addi %mul3A_2, %add3A_51 : i32
    %dma_wait3A_53 = arith.constant 1 : i32
    %dma_wait3A_54 = arith.constant 0 : i32
    %dma_wait3A_55 = arith.constant 0 : i32
    %dma_wait3A_56 = tpu.memref_slice %arg6[%dma_wait3A_53, %dma_wait3A_54, %dma_wait3A_55] : memref<4x2x12800xf32, #tpu.memory_space<vmem>> -> memref<1x2x12800xf32, #tpu.memory_space<vmem>>
    %dma_wait3A_57 = tpu.memref_squeeze %dma_wait3A_56 : memref<1x2x12800xf32, #tpu.memory_space<vmem>> -> memref<2x12800xf32, #tpu.memory_space<vmem>>
    %dma_wait3A_58 = arith.constant 0 : i32
    %dma_wait3A_59 = tpu.memref_slice %arg4[%add3A_52, %dma_wait3A_58] : memref<4096x12800xf32, #tpu.memory_space<hbm>> -> memref<2x12800xf32, #tpu.memory_space<hbm>>
    %dma_wait3A_60 = arith.constant 0 : i32
    %dma_wait3A_61 = tpu.memref_slice %arg4[%add3A_52, %dma_wait3A_60] : memref<4096x12800xf32, #tpu.memory_space<hbm>> -> memref<2x12800xf32, #tpu.memory_space<hbm>>
    %dma_wait3A_62 = arith.constant 0 : i32
    %dma_wait3A_63 = arith.constant 0 : i32
    %dma_wait3A_64 = tpu.memref_slice %arg6[%dma_wait3A_53, %dma_wait3A_62, %dma_wait3A_63] : memref<4x2x12800xf32, #tpu.memory_space<vmem>> -> memref<1x2x12800xf32, #tpu.memory_space<vmem>>
    %dma_wait3A_65 = tpu.memref_squeeze %dma_wait3A_64 : memref<1x2x12800xf32, #tpu.memory_space<vmem>> -> memref<2x12800xf32, #tpu.memory_space<vmem>>
    tpu.wait_dma2 semaphore(%arg12 : memref<!tpu.dma_semaphore, #tpu.memory_space<semaphore_mem>>) src(%dma_wait3A_65 : memref<2x12800xf32, #tpu.memory_space<vmem>>) dst(%dma_wait3A_61 : memref<2x12800xf32, #tpu.memory_space<hbm>>)
    %add3A_66 = arith.constant 124 : i32
    %add3A_67 = arith.addi %mul3A_2, %add3A_66 : i32
    %dma_wait3A_68 = arith.constant 2 : i32
    %dma_wait3A_69 = arith.constant 0 : i32
    %dma_wait3A_70 = arith.constant 0 : i32
    %dma_wait3A_71 = tpu.memref_slice %arg6[%dma_wait3A_68, %dma_wait3A_69, %dma_wait3A_70] : memref<4x2x12800xf32, #tpu.memory_space<vmem>> -> memref<1x2x12800xf32, #tpu.memory_space<vmem>>
    %dma_wait3A_72 = tpu.memref_squeeze %dma_wait3A_71 : memref<1x2x12800xf32, #tpu.memory_space<vmem>> -> memref<2x12800xf32, #tpu.memory_space<vmem>>
    %dma_wait3A_73 = arith.constant 0 : i32
    %dma_wait3A_74 = tpu.memref_slice %arg4[%add3A_67, %dma_wait3A_73] : memref<4096x12800xf32, #tpu.memory_space<hbm>> -> memref<2x12800xf32, #tpu.memory_space<hbm>>
    %dma_wait3A_75 = arith.constant 0 : i32
    %dma_wait3A_76 = tpu.memref_slice %arg4[%add3A_67, %dma_wait3A_75] : memref<4096x12800xf32, #tpu.memory_space<hbm>> -> memref<2x12800xf32, #tpu.memory_space<hbm>>
    %dma_wait3A_77 = arith.constant 0 : i32
    %dma_wait3A_78 = arith.constant 0 : i32
    %dma_wait3A_79 = tpu.memref_slice %arg6[%dma_wait3A_68, %dma_wait3A_77, %dma_wait3A_78] : memref<4x2x12800xf32, #tpu.memory_space<vmem>> -> memref<1x2x12800xf32, #tpu.memory_space<vmem>>
    %dma_wait3A_80 = tpu.memref_squeeze %dma_wait3A_79 : memref<1x2x12800xf32, #tpu.memory_space<vmem>> -> memref<2x12800xf32, #tpu.memory_space<vmem>>
    tpu.wait_dma2 semaphore(%arg13 : memref<!tpu.dma_semaphore, #tpu.memory_space<semaphore_mem>>) src(%dma_wait3A_80 : memref<2x12800xf32, #tpu.memory_space<vmem>>) dst(%dma_wait3A_76 : memref<2x12800xf32, #tpu.memory_space<hbm>>)
    %add3A_81 = arith.constant 126 : i32
    %add3A_82 = arith.addi %mul3A_2, %add3A_81 : i32
    %dma_wait3A_83 = arith.constant 3 : i32
    %dma_wait3A_84 = arith.constant 0 : i32
    %dma_wait3A_85 = arith.constant 0 : i32
    %dma_wait3A_86 = tpu.memref_slice %arg6[%dma_wait3A_83, %dma_wait3A_84, %dma_wait3A_85] : memref<4x2x12800xf32, #tpu.memory_space<vmem>> -> memref<1x2x12800xf32, #tpu.memory_space<vmem>>
    %dma_wait3A_87 = tpu.memref_squeeze %dma_wait3A_86 : memref<1x2x12800xf32, #tpu.memory_space<vmem>> -> memref<2x12800xf32, #tpu.memory_space<vmem>>
    %dma_wait3A_88 = arith.constant 0 : i32
    %dma_wait3A_89 = tpu.memref_slice %arg4[%add3A_82, %dma_wait3A_88] : memref<4096x12800xf32, #tpu.memory_space<hbm>> -> memref<2x12800xf32, #tpu.memory_space<hbm>>
    %dma_wait3A_90 = arith.constant 0 : i32
    %dma_wait3A_91 = tpu.memref_slice %arg4[%add3A_82, %dma_wait3A_90] : memref<4096x12800xf32, #tpu.memory_space<hbm>> -> memref<2x12800xf32, #tpu.memory_space<hbm>>
    %dma_wait3A_92 = arith.constant 0 : i32
    %dma_wait3A_93 = arith.constant 0 : i32
    %dma_wait3A_94 = tpu.memref_slice %arg6[%dma_wait3A_83, %dma_wait3A_92, %dma_wait3A_93] : memref<4x2x12800xf32, #tpu.memory_space<vmem>> -> memref<1x2x12800xf32, #tpu.memory_space<vmem>>
    %dma_wait3A_95 = tpu.memref_squeeze %dma_wait3A_94 : memref<1x2x12800xf32, #tpu.memory_space<vmem>> -> memref<2x12800xf32, #tpu.memory_space<vmem>>
    tpu.wait_dma2 semaphore(%arg14 : memref<!tpu.dma_semaphore, #tpu.memory_space<semaphore_mem>>) src(%dma_wait3A_95 : memref<2x12800xf32, #tpu.memory_space<vmem>>) dst(%dma_wait3A_91 : memref<2x12800xf32, #tpu.memory_space<hbm>>)
    return
  }
}

</mosaic_0001>

<sc_bundles>
// kernel: kernel.3.cloned.1.call-start
scs
__scs_entry_jumppad:
0x0: {  	(pc) =	sbr.rel $0x88, $3  }
0x1: {  	(tag) =	ssettag $0x0;
	lr =	simm.s32 $0x1  }
0x2: {  	[smem:$0x3F9F] =	sst lr;
	_ =	strace $0xD0000000  }
0x3: {  	_ = 	snop  }
0x4: {  	_ = 	snop  }
0x5: {  	_ = 	snop  }
0x6: {  	_ = 	snop  }
0x7: {  	_ = 	snop  }
__scs_overlays_trampoline_lowered:
0x8: {  	[smem:$0x3FAE] =	sst s0  }
0x9: {  	[smem:$0x3FAF] =	sst s1  }
0xa: {  	[smem:$0x3FB0] =	sst s2  }
0xb: {  	[smem:$0x3FB1] =	sst s3  }
0xc: {  	[smem:$0x3FB2] =	sst s4  }
0xd: {  	[smem:$0x3FB3] =	sst s5  }
0xe: {  	[smem:$0x3FB4] =	sst s6  }
0xf: {  	[smem:$0x3FB5] =	sst s7  }
0x10: {  	[smem:$0x3FB6] =	sst s8  }
0x11: {  	[smem:$0x3FB7] =	sst s9;
	s0 =	simm.s32 @!p0 $0x0  }
0x12: {  	s1 =	sld [smem:$0x3F9D];
	s0 =	simm.s32 @p0 $0x1  }
0x13: {  	[smem:$0x3FB8] =	sst s0;
	s0 =	simm.s32 @!p1 $0x0  }
0x14: {  	s2 =	sld [smem:$0x3F9C];
	s0 =	simm.s32 @p1 $0x1  }
0x15: {  	[smem:$0x3FB9] =	sst s0;
	s0 =	simm.s32 @!p2 $0x0  }
0x16: {  	s3 =	sld [smem:$0x3FDB];
	s0 =	simm.s32 @p2 $0x1  }
0x17: {  	s4 =	simm.s32 $0x1BF5;
	[smem:$0x3FBB] =	sst s0  }
0x18: {  	s0 =	sld [smem:$0x3F9E];
	_ =	swait.ge [sflag:s4], $0x0  }
0x19: {  	s7 =	sld [smem:$0x3F9F]  }
0x1a: {  	s8 =	sadd.s32 $0xFFFFE003, lr  }
0x1b: {  	s9 =	sadd.s32 $0xFFFFFEF7, lr;
	s5 =	simm.s32 $0xFFFFFFFF;
	p2 =	slt.u32 s8, $0xFFFFF086  }
0x1c: {  	p1 =	slt.u32 s9, $0xF7A;
	s5 =	simm.s32 @!p2 $0x0  }
0x1d: {  	s5 =	simm.s32 @p1 $0x1;
	p0 =	seq.s32 s7, s2  }
0x1e: {  	s7 =	smul.u32 @!p0 $0xF7A, s2;
	p2 =	seq.s32 @!p0 s5, $0x0  }
0x1f: {  	s9 =	smul.u32 $0xF7A, s1;
	s8 =	simm.s32 @!p0 $0x1BF5;
	p2 =	por !p2, p0  }
0x20: {  	[sflag:s8] =	ssyncset.s32 @!p0 $0xFFFFF086;
	s6 =	sadd.s32 @!p0 s3, s7;
	s7 =	simm.s32 @!p0 $0x108  }
0x21: {  	s3 =	sadd.s32 s3, s9;
	s6 =	sadd.s32 @!p0 $0x88, s6;
	s7 =	simm.s32 @p2 $0x1082  }
0x22: {  	[simem:s7], [sflag:s8] =	dma.local @!p0 [hbm:s6], $0xF7A  }
0x23: {  	s9 =	sor.u32 $0xD0000000, s2;
	s6 =	simm.s32 $0x108;
	_ =	swait.ge @!p0 [sflag:s8], $0x0  }
0x24: {  	s3 =	sadd.s32 $0x88, s3;
	s6 =	simm.s32 @!p1 $0x1082;
	[sflag:s4] =	ssyncset.s32 $0xFFFFF086  }
0x25: {  	[simem:s6], [sflag:s4] =	dma.local [hbm:s3], $0xF7A  }
0x26: {  	[smem:$0x3F9F] =	sst s1;
	(tag) =	ssettag s2;
	_ =	strace s9  }
0x27: {  	s1 =	sld [smem:$0x3FAF]  }
0x28: {  	s2 =	sld [smem:$0x3FB0]  }
0x29: {  	s4 =	sld [smem:$0x3FB2]  }
0x2a: {  	p0 =	seq.s32 s5, $0x0;
	s5 =	sld [smem:$0x3FB3]  }
0x2b: {  	s6 =	sld [smem:$0x3FB4]  }
0x2c: {  	s7 =	sld [smem:$0x3FB5]  }
0x2d: {  	s3 =	simm.s32 $0x108;
	s8 =	sld [smem:$0x3FB6]  }
0x2e: {  	s3 =	simm.s32 @!p0 $0x1082;
	s9 =	sld [smem:$0x3FB7]  }
0x2f: {  	lr =	sadd.s32 s0, s3;
	s0 =	sld [smem:$0x3FAE]  }
0x30: {  	s3 =	sld [smem:$0x3FB1]  }
0x31: {  	[smem:$0x3FBA] =	sst s10  }
0x32: {  	s10 =	sld [smem:$0x3FB8];
	_ =	sdelay $0x3  }
0x33: {  	p0 =	seq.s32 s10, $0x1;
	s10 =	sld [smem:$0x3FBA];
	_ =	sdelay $0x3  }
0x34: {  	[smem:$0x3FBA] =	sst s10  }
0x35: {  	s10 =	sld [smem:$0x3FB9];
	_ =	sdelay $0x3  }
0x36: {  	p1 =	seq.s32 s10, $0x1;
	s10 =	sld [smem:$0x3FBA];
	_ =	sdelay $0x3  }
0x37: {  	[smem:$0x3FBA] =	sst s10  }
0x38: {  	s10 =	sld [smem:$0x3FBB]  }
0x39: {  	_ = 	snop;
	(pc) =	sbr.ind lr, $3  }
0x3a: {  	_ = 	snop  }
0x3b: {  	_ = 	snop  }
0x3c: {  	p2 =	seq.s32 s10, $0x1;
	s10 =	sld [smem:$0x3FBA]  }
0x3d: {  	_ =	shalt  }
0x3e: {  	_ =	shalt  }
0x3f: {  	_ =	shalt  }
0x40: {  	_ =	shalt  }
0x41: {  	_ =	shalt  }
0x42: {  	_ =	shalt  }
0x43: {  	_ =	shalt  }
0x44: {  	_ =	shalt  }
0x45: {  	_ =	shalt  }
0x46: {  	_ =	shalt  }
0x47: {  	_ =	shalt  }
0x48: {  	_ =	shalt  }
0x49: {  	_ =	shalt  }
0x4a: {  	_ =	shalt  }
0x4b: {  	_ =	shalt  }
0x4c: {  	_ =	shalt  }
0x4d: {  	_ =	shalt  }
0x4e: {  	_ =	shalt  }
0x4f: {  	_ =	shalt  }
0x50: {  	_ =	shalt  }
0x51: {  	_ =	shalt  }
0x52: {  	_ =	shalt  }
0x53: {  	_ =	shalt  }
0x54: {  	_ =	shalt  }
0x55: {  	_ =	shalt  }
0x56: {  	_ =	shalt  }
0x57: {  	_ =	shalt  }
0x58: {  	_ =	shalt  }
0x59: {  	_ =	shalt  }
0x5a: {  	_ =	shalt  }
0x5b: {  	_ =	shalt  }
0x5c: {  	_ =	shalt  }
0x5d: {  	_ =	shalt  }
0x5e: {  	_ =	shalt  }
0x5f: {  	_ =	shalt  }
0x60: {  	_ =	shalt  }
0x61: {  	_ =	shalt  }
0x62: {  	_ =	shalt  }
0x63: {  	_ =	shalt  }
0x64: {  	_ =	shalt  }
0x65: {  	_ =	shalt  }
0x66: {  	_ =	shalt  }
0x67: {  	_ =	shalt  }
0x68: {  	_ =	shalt  }
0x69: {  	_ =	shalt  }
0x6a: {  	_ =	shalt  }
0x6b: {  	_ =	shalt  }
0x6c: {  	_ =	shalt  }
0x6d: {  	_ =	shalt  }
0x6e: {  	_ =	shalt  }
0x6f: {  	_ =	shalt  }
0x70: {  	_ =	shalt  }
0x71: {  	_ =	shalt  }
0x72: {  	_ =	shalt  }
0x73: {  	_ =	shalt  }
0x74: {  	_ =	shalt  }
0x75: {  	_ =	shalt  }
0x76: {  	_ =	shalt  }
0x77: {  	_ =	shalt  }
0x78: {  	_ =	shalt  }
0x79: {  	_ =	shalt  }
0x7a: {  	_ =	shalt  }
0x7b: {  	_ =	shalt  }
0x7c: {  	_ =	shalt  }
0x7d: {  	_ =	shalt  }
0x7e: {  	_ =	shalt  }
0x7f: {  	_ =	shalt  }
0x80: {  	_ =	shalt  }
0x81: {  	_ =	shalt  }
0x82: {  	_ =	shalt  }
0x83: {  	_ =	shalt  }
0x84: {  	_ =	shalt  }
0x85: {  	_ =	shalt  }
0x86: {  	_ =	shalt  }
0x87: {  	_ =	shalt  }
.Lfunc_end0:
.L_simem_size_0:
called_computation_lowered:
.L_overlay_start_0:
0x88: {  	s2 =	sld [smem:$0x3FD9]  }
0x89: {  	s3 =	sld [smem:$0x3FFE];
	_ =	sdelay $0x1  }
0x8a: {  	s1 =	srdreg.scid  }
0x8b: {  	s0 =	sand.u32 $0x1, s1  }
0x8c: {  	s17 =	sshll.u32 s0, $0xA;
	s2 =	sadd.s32 s3, s2  }
0x8d: {  	s2 =	sadd.s32 s2, s17  }
0x8e: {  	[smem:$0x3FC6] =	sst s2  }
0x8f: {  	_ = 	snop  }
0x90: {  	s2 =	sld [smem:$0x3FD0];
	(tm) =	ssettm $0x1  }
0x91: {  	s18 =	sld [smem:$0x3FFB];
	_ =	sdelay $0x3  }
0x92: {  	_ =	strace s18  }
0x93: {  	s3 =	sld [smem:$0x3FFC];
	_ =	sdelay $0x3  }
0x94: {  	_ =	strace s3  }
0x95: {  	s3 =	sld [smem:$0x3FFD];
	_ =	sdelay $0x3  }
0x96: {  	_ =	strace s3  }
0x97: {  	_ =	strace $0x8FFFFFFF  }
0x98: {  	s19 =	sld [smem:$0x3FDB];
	_ =	sdelay $0x1  }
0x99: {  	s4 =	simm.s32 $_scs_section_size  }
0x9a: {  	s5 =	simm.s32 $_size__tile_overlayer_lowered;
	s6 =	simm.s32 $_tile_overlayer_lowered  }
0x9b: {  	s22 =	simm.s32 $0x1BFF;
	s21 =	sshll.u32 s6, $0x1;
	s3 =	sadd.s32 s4, s19  }
0x9c: {  	s7 =	simm.s32 $0x0;
	s20 =	sshll.u32 s5, $0x1;
	s5 =	sadd.s32 s21, s3  }
0x9d: {  	[timem:s7], [sflag:s22] =	dma.local [hbm:s5], s20  }
0x9e: {  	_ =	swait.ge [sflag:s22], s20  }
0x9f: {  	s4 =	ssub.s32 $0x0, s20;
	[sflag:s22] =	ssyncset.done $0x0  }
0xa0: {  	[sflag:s22] =	ssyncadd.s32 s4;
	_ =	sdelay $0x1  }
0xa1: {  	s23 =	simm.s32 $0x1B8B  }
0xa2: {  	_ =	swait.ge [sflag:s23], $0x1  }
0xa3: {  	[sflag:s23] =	ssyncset.done $0x0  }
0xa4: {  	s25 =	simm.s32 $0x1B8E;
	s24 =	sld [smem:$0x3FFE];
	[sflag:s23] =	ssyncadd.s32 $0xFFFFFFFF  }
0xa5: {  	s26 =	simm.s32 $execute0_lowered;
	[smem:$0x3FD2] =	sst s25  }
0xa6: {  	s5 =	sshll.u32 s26, $0x1;
	_ =	strace $0x80000046;
	[dreg:$0x1] =	wrdreg $0xFFFFFFFF  }
0xa7: {  	s28 =	simm.s32 $_size_execute0_lowered;
	s3 =	sadd.s32 s3, s5;
	[dreg:$0x0] =	wrdreg $0x0  }
0xa8: {  	s5 =	sshll.u32 s28, $0x1;
	[dreg:$0x2] =	wrdreg s3  }
0xa9: {  	[dreg:$0x3] =	wrdreg s5  }
0xaa: {  	[dreg:$0x4] =	wrdreg $0xC0  }
0xab: {  	_ =	task [dreg:s7], $0x5FFFF  }
0xac: {  	[dreg:$0x1] =	wrdreg $0xFFFFFFFF  }
0xad: {  	[dreg:$0x0] =	wrdreg $0x60  }
0xae: {  	[dreg:$0x2] =	wrdreg s2  }
0xaf: {  	[dreg:$0x3] =	wrdreg s24  }
0xb0: {  	[dreg:$0x4] =	wrdreg $0x9  }
0xb1: {  	_ =	task.clear_ibuf [dreg:s7], $0x5FFFF;
	_ =	strace $0x90000046  }
0xb2: {  	s29 =	simm.s32 $0x9;
	_ =	strace $0x80000048  }
0xb3: {  	_ =	swait.ge [sflag:s29], $0x1  }
0xb4: {  	[sflag:s29] =	ssyncadd.s32 $0xFFFFFFFF  }
0xb5: {  	_ =	strace $0x90000048  }
0xb6: {  	_ =	sfence  }
0xb7: {  	s30 =	sld [smem:$0x0];
	_ =	sdelay $0x2  }
0xb8: {  	s31 =	sshll.u32 s1, $0xD;
	s1 =	sshrl.u32 s1, $0x2  }
0xb9: {  	s3 =	sand.u32 $0x4000, s31;
	s1 =	sadd.s32 s1, s30  }
0xba: {  	s0 =	sor.u32 s3, s0;
	s1 =	sshll.u32 s1, $0x11  }
0xbb: {  	s0 =	sor.u32 s1, s0  }
0xbc: {  	s0 =	sadd.s32 $0x8F2B, s0  }
0xbd: {  	[sflag:s0] =	ssyncadd.remote.s32 $0x1  }
0xbe: {  	_ =	sfence.sel $0xFFFF  }
0xbf: {  	[dreg:$0x0] =	wrdreg $0xFFFFFFFF;
	(pc) =	sbr.abs _section_cstart, $3  }
0xc0: {  	[dreg:$0x1] =	wrdreg $0xFFFFFFFF  }
0xc1: {  	_ =	task.clear_ibuf [dreg:s7], $0x2FFFF;
	_ =	strace $0x9FFFFFFF  }
0xc2: {  	(tm) =	ssettm $0x7FFFFFFF  }
0xc3: {  	_ =	shalt  }
tec
execute0_lowered:
.L_overlay_start_1:
0x0: {  	(tag) =	ssettag $0x1  }
0x1: {  	s1 =	rddreg [dreg:$0x0]  }
0x2: {  	s0 =	rddreg [dreg:$0x1];
	s2 =	srdreg.scid  }
0x3: {  	s4 =	simm.s32 $0x0;
	s3 =	stileid.u32;
	s13 =	simm.s32 $0x9  }
0x4: {  	s14 =	simm.s32 $0x100;
	s15 =	simm.s32 $0x400;
	s16 =	simm.s32 $0x3200  }
0x5: {  	s17 =	simm.s32 $0x9600;
	s18 =	simm.s32 $0x1;
	s19 =	simm.s32 $0xFA00  }
0x6: {  	s20 =	simm.s32 $0x2;
	s21 =	simm.s32 $0x15E00;
	s22 =	simm.s32 $0x3  }
0x7: {  	s23 =	simm.s32 $0x4;
	s24 =	simm.s32 $0x5;
	s28 =	simm.s32 $0x8  }
0x8: {  	s29 =	simm.s32 $0x0;
	s2 =	sand.u32 $0x1, s2;
	[smem:$0x7FF] =	sst s4  }
0x9: {  	s3 =	sshll.u32 s3, $0x5;
	s26 =	sadd.s32 $0x400, s0;
	s6 =	sadd.s32 $0xC00, s0  }
0xa: {  	s7 =	sadd.s32 $0x20, s1;
	s10 =	sadd.s32 $0xC20, s0;
	s25 =	sshll.u32 s2, $0x4  }
.Ltmp0:
0xb: {  	_ =	strace $0x80000047;
	s4 =	sor.u32 s25, s3;
	(pc) =	sbr.rel .LBB2_1-.Ltmp0, $4  }
0xc: {  	s2 =	ssub.s32 $0x2, s2;
	[dreg:$0x3] =	wrdreg s26;
	s5 =	smul.u32 $0x3200, s4  }
0xd: {  	s26 =	simm.s32 $0x7;
	s30 =	sshrl.u32 s2, $0x1;
	s25 =	simm.s32 $0x6  }
0xe: {  	s2 =	ssub.s32 s2, s30;
	s12 =	sor.u32 $0x1, s4;
	s31 =	sadd.s32 s1, s5  }
0xf: {  	s11 =	smax.u32 s2, $0x1;
	s9 =	sadd.s32 s5, s7;
	[dreg:$0x4] =	wrdreg s31  }
.LBB2_12:
0x10: {  	_ =	swait.ge [sflag:s24], $0x6400  }
0x11: {  	[sflag:s24] =	ssyncset.done $0x0  }
0x12: {  	[sflag:s24] =	ssyncadd.s32 $0xFFFF9C00  }
0x13: {  	_ =	swait.ge [sflag:s25], $0x6400  }
0x14: {  	[sflag:s25] =	ssyncset.done $0x0  }
0x15: {  	s29 =	sadd.s32 $0x1, s29;
	[sflag:s25] =	ssyncadd.s32 $0xFFFF9C00  }
0x16: {  	p0 =	sne.s32 s29, s11;
	_ =	swait.ge [sflag:s26], $0x6400  }
.Ltmp1:
0x17: {  	[sflag:s26] =	ssyncset.done $0x0;
	(pc) =	sbr.rel @!p0 .LBB2_13-.Ltmp1, $4  }
0x18: {  	[sflag:s26] =	ssyncadd.s32 $0xFFFF9C00  }
0x19: {  	_ =	swait.ge [sflag:s28], $0x6400  }
0x1a: {  	[sflag:s28] =	ssyncset.done $0x0  }
0x1b: {  	[sflag:s28] =	ssyncadd.s32 $0xFFFF9C00  }
.LBB2_1:
0x1c: {  	s0 =	simm.s32 $0x0;
	s2 =	rddreg [dreg:$0x3]  }
0x1d: {  	[tilespmem:s0], [sflag:$0x9] =	stream.linear.gather [hbm4b:s2+s0], $0x3200, $0x38;
	[tilespmem:$0x1C200] =	vst v63  }
0x1e: {  	_ =	swait.ge [sflag:s13], $0x3200  }
0x1f: {  	[sflag:s13] =	ssyncset.done $0x0  }
0x20: {  	s31 =	rddreg [dreg:$0x4];
	[sflag:s13] =	ssyncadd.s32 $0xFFFFCE00  }
0x21: {  	[tilespmem:s16], [sflag:$0x1] =	stream.strided.gather [hbm4b:s31+s14], $0x6400, s15, s14, $0x38;
	[tilespmem:$0x1C200] =	vst v63  }
0x22: {  	s30 =	simm.s32 $0x0  }
0x23: {  	[tilespmem:s17], [sflag:$0x2] =	stream.strided.gather [hbm4b:s9+s14], $0x6400, s15, s14, $0x38;
	[tilespmem:$0x1C200] =	vst v63  }
.LBB2_2:
0x24: {  	_ =	swait.ge [sflag:s18], $0x6400  }
0x25: {  	[sflag:s18] =	ssyncset.done $0x0  }
0x26: {  	s3 =	simm.s32 $0x40;
	[sflag:s18] =	ssyncadd.s32 $0xFFFF9C00  }
0x27: {  	s0 =	simm.s32 $0x3280;
	v0 =	vld [tilespmem:s3+$0x30]  }
0x28: {  	v3 =	vld [tilespmem:s0+$0x70]  }
0x29: {  	v1 =	vld [tilespmem:s0+$0xFFFFFF80]  }
0x2a: {  	v2 =	vld [tilespmem:s0+$0x0]  }
0x2b: {  	v4 =	vld [tilespmem:s3+$0xFFFFFFD0]  }
0x2c: {  	v5 =	vld [tilespmem:s0+$0xFFFFFF90]  }
0x2d: {  	v6 =	vld [tilespmem:s0+$0x10]  }
0x2e: {  	v7 =	vld [tilespmem:s3+$0xFFFFFFE0]  }
0x2f: {  	v8 =	vld [tilespmem:s0+$0xFFFFFFA0]  }
0x30: {  	v9 =	vld [tilespmem:s0+$0x20]  }
0x31: {  	v10 =	vld [tilespmem:s3+$0xFFFFFFF0]  }
0x32: {  	v11 =	vld [tilespmem:s0+$0xFFFFFFB0]  }
0x33: {  	v12 =	vld [tilespmem:s0+$0x30]  }
0x34: {  	v13 =	vld [tilespmem:s3+$0x0];
	v3 =	vadd.f32 v3, v0  }
0x35: {  	v14 =	vld [tilespmem:s0+$0xFFFFFFC0];
	v5 =	vadd.f32 v5, v4  }
0x36: {  	[tilespmem:s0+$0x70] =	vst v3;
	v3 =	vadd.f32 v6, v4;
	v4 =	vld [tilespmem:s0+$0x40]  }
0x37: {  	[tilespmem:s0+$0xFFFFFF90] =	vst v5;
	v5 =	vadd.f32 v8, v7;
	v8 =	vld [tilespmem:s3+$0x10]  }
0x38: {  	[tilespmem:s0+$0x10] =	vst v3;
	v3 =	vadd.f32 v9, v7;
	v9 =	vld [tilespmem:s0+$0xFFFFFFD0]  }
0x39: {  	[tilespmem:s0+$0xFFFFFFA0] =	vst v5;
	v5 =	vadd.f32 v11, v10;
	v11 =	vld [tilespmem:s0+$0x50]  }
0x3a: {  	v6 =	vadd.f32 v12, v10;
	[tilespmem:s0+$0x20] =	vst v3;
	v3 =	vld [tilespmem:s3+$0x20]  }
0x3b: {  	v7 =	vadd.f32 v14, v13;
	[tilespmem:s0+$0xFFFFFFB0] =	vst v5;
	v5 =	vld [tilespmem:s0+$0xFFFFFFE0]  }
0x3c: {  	[tilespmem:s0+$0x30] =	vst v6;
	v6 =	vld [tilespmem:s0+$0x60];
	v4 =	vadd.f32 v4, v13  }
0x3d: {  	[tilespmem:s0+$0xFFFFFFC0] =	vst v7;
	v7 =	vld [tilespmem:s0+$0xFFFFFFF0];
	v9 =	vadd.f32 v9, v8  }
0x3e: {  	s2 =	simm.s32 $0x0;
	s5 =	simm.s32 $0x3280;
	[tilespmem:s0+$0x40] =	vst v4;
	v4 =	vld [tilespmem:s3+$0xFFFFFFC0];
	v8 =	vadd.f32 v11, v8;
	s3 =	simm.s32 $0xC0  }
.LBB2_3:
0x3f: {  	v10 =	vld [tilespmem:s3+$0x30];
	[tilespmem:s0+$0xFFFFFFD0] =	vst v9;
	s5 =	sadd.s32 $0x100, s5  }
0x40: {  	s2 =	sadd.s32 $0x8, s2;
	v9 =	vld [tilespmem:s5+$0x70];
	[tilespmem:s0+$0x50] =	vst v8;
	v5 =	vadd.f32 v5, v3  }
0x41: {  	p0 =	slt.u32 s2, $0x318;
	v8 =	vld [tilespmem:s5+$0xFFFFFF80];
	v3 =	vadd.f32 v6, v3  }
0x42: {  	v6 =	vld [tilespmem:s5+$0x0];
	[tilespmem:s0+$0xFFFFFFE0] =	vst v5;
	v7 =	vadd.f32 v7, v0  }
0x43: {  	v5 =	vld [tilespmem:s3+$0xFFFFFFD0];
	v11 =	vadd.f32 v1, v4;
	v2 =	vadd.f32 v2, v4;
	[tilespmem:s0+$0x60] =	vst v3  }
0x44: {  	v3 =	vld [tilespmem:s5+$0xFFFFFF90];
	[tilespmem:s0+$0xFFFFFFF0] =	vst v7;
	v0 =	vmov v10  }
0x45: {  	v4 =	vld [tilespmem:s5+$0x10];
	v7 =	vadd.f32 v9, v0;
	[tilespmem:s0+$0xFFFFFF80] =	vst v11  }
0x46: {  	v9 =	vld [tilespmem:s3+$0xFFFFFFE0];
	[tilespmem:s0+$0x0] =	vst v2;
	v1 =	vmov v8;
	s0 =	smov.u32 s5  }
0x47: {  	v8 =	vld [tilespmem:s5+$0xFFFFFFA0];
	[tilespmem:s5+$0x70] =	vst v7;
	v2 =	vmov v6  }
0x48: {  	v6 =	vld [tilespmem:s5+$0x20]  }
0x49: {  	v3 =	vadd.f32 v3, v5;
	v7 =	vld [tilespmem:s3+$0xFFFFFFF0]  }
0x4a: {  	v4 =	vadd.f32 v4, v5;
	v5 =	vld [tilespmem:s5+$0xFFFFFFB0]  }
0x4b: {  	[tilespmem:s5+$0xFFFFFF90] =	vst v3;
	v3 =	vld [tilespmem:s5+$0x30]  }
0x4c: {  	[tilespmem:s5+$0x10] =	vst v4;
	v4 =	vadd.f32 v8, v9;
	v8 =	vld [tilespmem:s3+$0x0]  }
0x4d: {  	v6 =	vadd.f32 v6, v9;
	v9 =	vld [tilespmem:s5+$0xFFFFFFC0]  }
0x4e: {  	[tilespmem:s5+$0xFFFFFFA0] =	vst v4;
	v4 =	vld [tilespmem:s5+$0x40]  }
0x4f: {  	[tilespmem:s5+$0x20] =	vst v6;
	v5 =	vadd.f32 v5, v7;
	v10 =	vld [tilespmem:s3+$0x10]  }
0x50: {  	v3 =	vadd.f32 v3, v7;
	v7 =	vld [tilespmem:s5+$0xFFFFFFD0]  }
0x51: {  	[tilespmem:s5+$0xFFFFFFB0] =	vst v5;
	v11 =	vld [tilespmem:s5+$0x50]  }
.Ltmp2:
0x52: {  	[tilespmem:s5+$0x30] =	vst v3;
	v6 =	vadd.f32 v9, v8;
	v3 =	vld [tilespmem:s3+$0x20];
	(pc) =	sbr.rel @p0 .LBB2_3-.Ltmp2, $4  }
0x53: {  	v4 =	vadd.f32 v4, v8;
	v5 =	vld [tilespmem:s5+$0xFFFFFFE0]  }
0x54: {  	[tilespmem:s5+$0xFFFFFFC0] =	vst v6;
	v6 =	vld [tilespmem:s5+$0x60]  }
0x55: {  	[tilespmem:s5+$0x40] =	vst v4;
	v9 =	vadd.f32 v7, v10;
	v7 =	vld [tilespmem:s5+$0xFFFFFFF0]  }
0x56: {  	v4 =	vld [tilespmem:s3+$0xFFFFFFC0];
	v8 =	vadd.f32 v11, v10;
	s3 =	sadd.s32 $0x80, s3  }
0x57: {  	_ = 	snop  }
0x58: {  	[tilespmem:s0+$0xFFFFFFD0] =	vst v9;
	v5 =	vadd.f32 v5, v3  }
0x59: {  	[tilespmem:s0+$0x50] =	vst v8;
	v3 =	vadd.f32 v6, v3  }
0x5a: {  	[tilespmem:s0+$0xFFFFFFE0] =	vst v5;
	v0 =	vadd.f32 v7, v0  }
0x5b: {  	s2 =	sor.u32 s4, s30;
	v1 =	vadd.f32 v1, v4;
	[tilespmem:s0+$0x60] =	vst v3  }
0x5c: {  	s31 =	smul.u32 $0x3200, s2;
	v2 =	vadd.f32 v2, v4;
	[tilespmem:s0+$0xFFFFFFF0] =	vst v0  }
0x5d: {  	p0 =	seq.s32 s30, $0x0;
	[tilespmem:s0+$0xFFFFFF80] =	vst v1  }
0x5e: {  	s2 =	simm.s32 @!p0 $0x7;
	s5 =	sadd.s32 s6, s31;
	[tilespmem:s0+$0x0] =	vst v2  }
0x5f: {  	[hbm4b:s5+s14] =	stream.strided.scatter [tilespmem:s16], [sflag:$0x5], $0x6400, s15, s14, $0x38;
	[tilespmem:$0x1C200] =	vst v63  }
0x60: {  	_ =	swait.ge @!p0 [sflag:s2], $0x6400  }
0x61: {  	s0 =	sor.u32 $0x40, s31;
	[sflag:s2] =	ssyncset.done @!p0 $0x0  }
0x62: {  	s8 =	sadd.s32 s1, s0;
	[sflag:s2] =	ssyncadd.s32 @!p0 $0xFFFF9C00  }
0x63: {  	[tilespmem:s19], [sflag:$0x3] =	stream.strided.gather [hbm4b:s8+s14], $0x6400, s15, s14, $0x38;
	[tilespmem:$0x1C200] =	vst v63  }
0x64: {  	_ =	swait.ge [sflag:s20], $0x6400  }
0x65: {  	[sflag:s20] =	ssyncset.done $0x0  }
0x66: {  	s5 =	simm.s32 $0x40;
	[sflag:s20] =	ssyncadd.s32 $0xFFFF9C00  }
0x67: {  	s2 =	simm.s32 $0x9600;
	v0 =	vld [tilespmem:s5+$0x30]  }
0x68: {  	v3 =	vld [tilespmem:s2+$0xF0]  }
0x69: {  	v1 =	vld [tilespmem:s2+$0x0]  }
0x6a: {  	v2 =	vld [tilespmem:s2+$0x80]  }
0x6b: {  	v4 =	vld [tilespmem:s5+$0xFFFFFFD0]  }
0x6c: {  	v5 =	vld [tilespmem:s2+$0x10]  }
0x6d: {  	v6 =	vld [tilespmem:s2+$0x90]  }
0x6e: {  	v7 =	vld [tilespmem:s5+$0xFFFFFFE0]  }
0x6f: {  	v8 =	vld [tilespmem:s2+$0x20]  }
0x70: {  	v9 =	vld [tilespmem:s2+$0xA0]  }
0x71: {  	v10 =	vld [tilespmem:s5+$0xFFFFFFF0]  }
0x72: {  	v11 =	vld [tilespmem:s2+$0x30]  }
0x73: {  	v12 =	vld [tilespmem:s2+$0xB0]  }
0x74: {  	v13 =	vld [tilespmem:s5+$0x0];
	v3 =	vadd.f32 v3, v0  }
0x75: {  	v14 =	vld [tilespmem:s2+$0x40];
	v5 =	vadd.f32 v5, v4  }
0x76: {  	[tilespmem:s2+$0xF0] =	vst v3;
	v3 =	vadd.f32 v6, v4;
	v4 =	vld [tilespmem:s2+$0xC0]  }
0x77: {  	[tilespmem:s2+$0x10] =	vst v5;
	v5 =	vadd.f32 v8, v7;
	v8 =	vld [tilespmem:s5+$0x10]  }
0x78: {  	[tilespmem:s2+$0x90] =	vst v3;
	v3 =	vadd.f32 v9, v7;
	v9 =	vld [tilespmem:s2+$0x50]  }
0x79: {  	[tilespmem:s2+$0x20] =	vst v5;
	v5 =	vadd.f32 v11, v10;
	v11 =	vld [tilespmem:s2+$0xD0]  }
0x7a: {  	v6 =	vadd.f32 v12, v10;
	[tilespmem:s2+$0xA0] =	vst v3;
	v3 =	vld [tilespmem:s5+$0x20]  }
0x7b: {  	v7 =	vadd.f32 v14, v13;
	[tilespmem:s2+$0x30] =	vst v5;
	v5 =	vld [tilespmem:s2+$0x60]  }
0x7c: {  	[tilespmem:s2+$0xB0] =	vst v6;
	v6 =	vld [tilespmem:s2+$0xE0];
	v4 =	vadd.f32 v4, v13  }
0x7d: {  	[tilespmem:s2+$0x40] =	vst v7;
	v7 =	vld [tilespmem:s2+$0x70];
	v9 =	vadd.f32 v9, v8  }
0x7e: {  	s3 =	simm.s32 $0x0;
	s8 =	simm.s32 $0x9600;
	[tilespmem:s2+$0xC0] =	vst v4;
	v4 =	vld [tilespmem:s5+$0xFFFFFFC0];
	v8 =	vadd.f32 v11, v8;
	s5 =	simm.s32 $0xC0  }
.LBB2_5:
0x7f: {  	v10 =	vld [tilespmem:s5+$0x30];
	[tilespmem:s2+$0x50] =	vst v9;
	s8 =	sadd.s32 $0x100, s8  }
0x80: {  	s3 =	sadd.s32 $0x8, s3;
	v9 =	vld [tilespmem:s8+$0xF0];
	[tilespmem:s2+$0xD0] =	vst v8;
	v5 =	vadd.f32 v5, v3  }
0x81: {  	p1 =	slt.u32 s3, $0x318;
	v8 =	vld [tilespmem:s8+$0x0];
	v3 =	vadd.f32 v6, v3  }
0x82: {  	v6 =	vld [tilespmem:s8+$0x80];
	[tilespmem:s2+$0x60] =	vst v5;
	v7 =	vadd.f32 v7, v0  }
0x83: {  	v5 =	vld [tilespmem:s5+$0xFFFFFFD0];
	v11 =	vadd.f32 v1, v4;
	v2 =	vadd.f32 v2, v4;
	[tilespmem:s2+$0xE0] =	vst v3  }
0x84: {  	v3 =	vld [tilespmem:s8+$0x10];
	[tilespmem:s2+$0x70] =	vst v7;
	v0 =	vmov v10  }
0x85: {  	v4 =	vld [tilespmem:s8+$0x90];
	v7 =	vadd.f32 v9, v0;
	[tilespmem:s2+$0x0] =	vst v11  }
0x86: {  	v9 =	vld [tilespmem:s5+$0xFFFFFFE0];
	[tilespmem:s2+$0x80] =	vst v2;
	v1 =	vmov v8;
	s2 =	smov.u32 s8  }
0x87: {  	v8 =	vld [tilespmem:s8+$0x20];
	[tilespmem:s8+$0xF0] =	vst v7;
	v2 =	vmov v6  }
0x88: {  	v6 =	vld [tilespmem:s8+$0xA0]  }
0x89: {  	v3 =	vadd.f32 v3, v5;
	v7 =	vld [tilespmem:s5+$0xFFFFFFF0]  }
0x8a: {  	v4 =	vadd.f32 v4, v5;
	v5 =	vld [tilespmem:s8+$0x30]  }
0x8b: {  	[tilespmem:s8+$0x10] =	vst v3;
	v3 =	vld [tilespmem:s8+$0xB0]  }
0x8c: {  	[tilespmem:s8+$0x90] =	vst v4;
	v4 =	vadd.f32 v8, v9;
	v8 =	vld [tilespmem:s5+$0x0]  }
0x8d: {  	v6 =	vadd.f32 v6, v9;
	v9 =	vld [tilespmem:s8+$0x40]  }
0x8e: {  	[tilespmem:s8+$0x20] =	vst v4;
	v4 =	vld [tilespmem:s8+$0xC0]  }
0x8f: {  	[tilespmem:s8+$0xA0] =	vst v6;
	v5 =	vadd.f32 v5, v7;
	v10 =	vld [tilespmem:s5+$0x10]  }
0x90: {  	v3 =	vadd.f32 v3, v7;
	v7 =	vld [tilespmem:s8+$0x50]  }
0x91: {  	[tilespmem:s8+$0x30] =	vst v5;
	v11 =	vld [tilespmem:s8+$0xD0]  }
.Ltmp3:
0x92: {  	[tilespmem:s8+$0xB0] =	vst v3;
	v6 =	vadd.f32 v9, v8;
	v3 =	vld [tilespmem:s5+$0x20];
	(pc) =	sbr.rel @p1 .LBB2_5-.Ltmp3, $4  }
0x93: {  	v4 =	vadd.f32 v4, v8;
	v5 =	vld [tilespmem:s8+$0x60]  }
0x94: {  	[tilespmem:s8+$0x40] =	vst v6;
	v6 =	vld [tilespmem:s8+$0xE0]  }
0x95: {  	[tilespmem:s8+$0xC0] =	vst v4;
	v9 =	vadd.f32 v7, v10;
	v7 =	vld [tilespmem:s8+$0x70]  }
0x96: {  	v4 =	vld [tilespmem:s5+$0xFFFFFFC0];
	v8 =	vadd.f32 v11, v10;
	s5 =	sadd.s32 $0x80, s5  }
0x97: {  	_ = 	snop  }
0x98: {  	[tilespmem:s2+$0x50] =	vst v9;
	v5 =	vadd.f32 v5, v3  }
0x99: {  	[tilespmem:s2+$0xD0] =	vst v8;
	v3 =	vadd.f32 v6, v3  }
0x9a: {  	[tilespmem:s2+$0x60] =	vst v5;
	v0 =	vadd.f32 v7, v0  }
0x9b: {  	v1 =	vadd.f32 v1, v4;
	[tilespmem:s2+$0xE0] =	vst v3  }
0x9c: {  	v2 =	vadd.f32 v2, v4;
	[tilespmem:s2+$0x70] =	vst v0  }
0x9d: {  	[tilespmem:s2+$0x0] =	vst v1  }
0x9e: {  	s5 =	sadd.s32 s31, s10;
	[tilespmem:s2+$0x80] =	vst v2;
	s2 =	simm.s32 @!p0 $0x8  }
0x9f: {  	[hbm4b:s5+s14] =	stream.strided.scatter [tilespmem:s17], [sflag:$0x6], $0x6400, s15, s14, $0x38;
	[tilespmem:$0x1C200] =	vst v63  }
0xa0: {  	_ =	swait.ge @!p0 [sflag:s2], $0x6400  }
0xa1: {  	s31 =	sor.u32 $0x60, s31;
	[sflag:s2] =	ssyncset.done @!p0 $0x0  }
0xa2: {  	s8 =	sadd.s32 s1, s31;
	[sflag:s2] =	ssyncadd.s32 @!p0 $0xFFFF9C00  }
0xa3: {  	[tilespmem:s21], [sflag:$0x4] =	stream.strided.gather [hbm4b:s8+s14], $0x6400, s15, s14, $0x38;
	[tilespmem:$0x1C200] =	vst v63  }
0xa4: {  	_ =	swait.ge [sflag:s22], $0x6400  }
0xa5: {  	[sflag:s22] =	ssyncset.done $0x0  }
0xa6: {  	s5 =	simm.s32 $0x40;
	[sflag:s22] =	ssyncadd.s32 $0xFFFF9C00  }
0xa7: {  	s2 =	simm.s32 $0xFA00;
	v0 =	vld [tilespmem:s5+$0x30]  }
0xa8: {  	v3 =	vld [tilespmem:s2+$0xF0]  }
0xa9: {  	v1 =	vld [tilespmem:s2+$0x0]  }
0xaa: {  	v2 =	vld [tilespmem:s2+$0x80]  }
0xab: {  	v4 =	vld [tilespmem:s5+$0xFFFFFFD0]  }
0xac: {  	v5 =	vld [tilespmem:s2+$0x10]  }
0xad: {  	v6 =	vld [tilespmem:s2+$0x90]  }
0xae: {  	v7 =	vld [tilespmem:s5+$0xFFFFFFE0]  }
0xaf: {  	v8 =	vld [tilespmem:s2+$0x20]  }
0xb0: {  	v9 =	vld [tilespmem:s2+$0xA0]  }
0xb1: {  	v10 =	vld [tilespmem:s5+$0xFFFFFFF0]  }
0xb2: {  	v11 =	vld [tilespmem:s2+$0x30]  }
0xb3: {  	v12 =	vld [tilespmem:s2+$0xB0]  }
0xb4: {  	v13 =	vld [tilespmem:s5+$0x0];
	v3 =	vadd.f32 v3, v0  }
0xb5: {  	v14 =	vld [tilespmem:s2+$0x40];
	v5 =	vadd.f32 v5, v4  }
0xb6: {  	[tilespmem:s2+$0xF0] =	vst v3;
	v3 =	vadd.f32 v6, v4;
	v4 =	vld [tilespmem:s2+$0xC0]  }
0xb7: {  	[tilespmem:s2+$0x10] =	vst v5;
	v5 =	vadd.f32 v8, v7;
	v8 =	vld [tilespmem:s5+$0x10]  }
0xb8: {  	[tilespmem:s2+$0x90] =	vst v3;
	v3 =	vadd.f32 v9, v7;
	v9 =	vld [tilespmem:s2+$0x50]  }
0xb9: {  	[tilespmem:s2+$0x20] =	vst v5;
	v5 =	vadd.f32 v11, v10;
	v11 =	vld [tilespmem:s2+$0xD0]  }
0xba: {  	v6 =	vadd.f32 v12, v10;
	[tilespmem:s2+$0xA0] =	vst v3;
	v3 =	vld [tilespmem:s5+$0x20]  }
0xbb: {  	v7 =	vadd.f32 v14, v13;
	[tilespmem:s2+$0x30] =	vst v5;
	v5 =	vld [tilespmem:s2+$0x60]  }
0xbc: {  	[tilespmem:s2+$0xB0] =	vst v6;
	v6 =	vld [tilespmem:s2+$0xE0];
	v4 =	vadd.f32 v4, v13  }
0xbd: {  	[tilespmem:s2+$0x40] =	vst v7;
	v7 =	vld [tilespmem:s2+$0x70];
	v9 =	vadd.f32 v9, v8  }
0xbe: {  	s3 =	simm.s32 $0x0;
	s8 =	simm.s32 $0xFA00;
	[tilespmem:s2+$0xC0] =	vst v4;
	v4 =	vld [tilespmem:s5+$0xFFFFFFC0];
	v8 =	vadd.f32 v11, v8;
	s5 =	simm.s32 $0xC0  }
.LBB2_7:
0xbf: {  	v10 =	vld [tilespmem:s5+$0x30];
	[tilespmem:s2+$0x50] =	vst v9;
	s8 =	sadd.s32 $0x100, s8  }
0xc0: {  	s3 =	sadd.s32 $0x8, s3;
	v9 =	vld [tilespmem:s8+$0xF0];
	[tilespmem:s2+$0xD0] =	vst v8;
	v5 =	vadd.f32 v5, v3  }
0xc1: {  	p0 =	slt.u32 s3, $0x318;
	v8 =	vld [tilespmem:s8+$0x0];
	v3 =	vadd.f32 v6, v3  }
0xc2: {  	v6 =	vld [tilespmem:s8+$0x80];
	[tilespmem:s2+$0x60] =	vst v5;
	v7 =	vadd.f32 v7, v0  }
0xc3: {  	v5 =	vld [tilespmem:s5+$0xFFFFFFD0];
	v11 =	vadd.f32 v1, v4;
	v2 =	vadd.f32 v2, v4;
	[tilespmem:s2+$0xE0] =	vst v3  }
0xc4: {  	v3 =	vld [tilespmem:s8+$0x10];
	[tilespmem:s2+$0x70] =	vst v7;
	v0 =	vmov v10  }
0xc5: {  	v4 =	vld [tilespmem:s8+$0x90];
	v7 =	vadd.f32 v9, v0;
	[tilespmem:s2+$0x0] =	vst v11  }
0xc6: {  	v9 =	vld [tilespmem:s5+$0xFFFFFFE0];
	[tilespmem:s2+$0x80] =	vst v2;
	v1 =	vmov v8;
	s2 =	smov.u32 s8  }
0xc7: {  	v8 =	vld [tilespmem:s8+$0x20];
	[tilespmem:s8+$0xF0] =	vst v7;
	v2 =	vmov v6  }
0xc8: {  	v6 =	vld [tilespmem:s8+$0xA0]  }
0xc9: {  	v3 =	vadd.f32 v3, v5;
	v7 =	vld [tilespmem:s5+$0xFFFFFFF0]  }
0xca: {  	v4 =	vadd.f32 v4, v5;
	v5 =	vld [tilespmem:s8+$0x30]  }
0xcb: {  	[tilespmem:s8+$0x10] =	vst v3;
	v3 =	vld [tilespmem:s8+$0xB0]  }
0xcc: {  	[tilespmem:s8+$0x90] =	vst v4;
	v4 =	vadd.f32 v8, v9;
	v8 =	vld [tilespmem:s5+$0x0]  }
0xcd: {  	v6 =	vadd.f32 v6, v9;
	v9 =	vld [tilespmem:s8+$0x40]  }
0xce: {  	[tilespmem:s8+$0x20] =	vst v4;
	v4 =	vld [tilespmem:s8+$0xC0]  }
0xcf: {  	[tilespmem:s8+$0xA0] =	vst v6;
	v5 =	vadd.f32 v5, v7;
	v10 =	vld [tilespmem:s5+$0x10]  }
0xd0: {  	v3 =	vadd.f32 v3, v7;
	v7 =	vld [tilespmem:s8+$0x50]  }
0xd1: {  	[tilespmem:s8+$0x30] =	vst v5;
	v11 =	vld [tilespmem:s8+$0xD0]  }
.Ltmp4:
0xd2: {  	[tilespmem:s8+$0xB0] =	vst v3;
	v6 =	vadd.f32 v9, v8;
	v3 =	vld [tilespmem:s5+$0x20];
	(pc) =	sbr.rel @p0 .LBB2_7-.Ltmp4, $4  }
0xd3: {  	v4 =	vadd.f32 v4, v8;
	v5 =	vld [tilespmem:s8+$0x60]  }
0xd4: {  	[tilespmem:s8+$0x40] =	vst v6;
	v6 =	vld [tilespmem:s8+$0xE0]  }
0xd5: {  	[tilespmem:s8+$0xC0] =	vst v4;
	v9 =	vadd.f32 v7, v10;
	v7 =	vld [tilespmem:s8+$0x70]  }
0xd6: {  	v4 =	vld [tilespmem:s5+$0xFFFFFFC0];
	v8 =	vadd.f32 v11, v10;
	s5 =	sadd.s32 $0x80, s5  }
0xd7: {  	_ = 	snop  }
0xd8: {  	[tilespmem:s2+$0x50] =	vst v9;
	v5 =	vadd.f32 v5, v3  }
0xd9: {  	[tilespmem:s2+$0xD0] =	vst v8;
	v3 =	vadd.f32 v6, v3  }
0xda: {  	[tilespmem:s2+$0x60] =	vst v5;
	v0 =	vadd.f32 v7, v0  }
0xdb: {  	v1 =	vadd.f32 v1, v4;
	[tilespmem:s2+$0xE0] =	vst v3  }
0xdc: {  	v2 =	vadd.f32 v2, v4;
	[tilespmem:s2+$0x70] =	vst v0  }
0xdd: {  	[tilespmem:s2+$0x0] =	vst v1  }
0xde: {  	s0 =	sadd.s32 s6, s0;
	p0 =	seq.s32 s30, $0xF;
	[tilespmem:s2+$0x80] =	vst v2  }
0xdf: {  	[hbm4b:s0+s14] =	stream.strided.scatter [tilespmem:s19], [sflag:$0x7], $0x6400, s15, s14, $0x38;
	[tilespmem:$0x1C200] =	vst v63  }
0xe0: {  	s2 =	sadd.s32 @!p0 s30, s12;
	s0 =	simm.s32 @!p0 $0x5  }
0xe1: {  	s2 =	smul.u32 @!p0 $0x3200, s2;
	_ =	swait.ge @!p0 [sflag:s0], $0x6400  }
0xe2: {  	s3 =	simm.s32 @!p0 $0x400;
	s5 =	simm.s32 @!p0 $0x3200;
	[sflag:s0] =	ssyncset.done @!p0 $0x0  }
0xe3: {  	[sflag:s0] =	ssyncadd.s32 @!p0 $0xFFFF9C00;
	s0 =	sadd.s32 @!p0 s1, s2;
	s2 =	simm.s32 @!p0 $0x100  }
0xe4: {  	[tilespmem:s5], [sflag:$0x1] =	stream.strided.gather @!p0 [hbm4b:s0+s2], $0x6400, s3, s2, $0x38;
	[tilespmem:$0x1C200] =	vst v63  }
0xe5: {  	_ =	swait.ge [sflag:s23], $0x6400  }
0xe6: {  	[sflag:s23] =	ssyncset.done $0x0  }
0xe7: {  	s8 =	simm.s32 $0x40;
	[sflag:s23] =	ssyncadd.s32 $0xFFFF9C00  }
0xe8: {  	s0 =	simm.s32 $0x15E00;
	v0 =	vld [tilespmem:s8+$0x30]  }
0xe9: {  	v3 =	vld [tilespmem:s0+$0xF0]  }
0xea: {  	v1 =	vld [tilespmem:s0+$0x0]  }
0xeb: {  	v2 =	vld [tilespmem:s0+$0x80]  }
0xec: {  	v4 =	vld [tilespmem:s8+$0xFFFFFFD0]  }
0xed: {  	v5 =	vld [tilespmem:s0+$0x10]  }
0xee: {  	v6 =	vld [tilespmem:s0+$0x90]  }
0xef: {  	v7 =	vld [tilespmem:s8+$0xFFFFFFE0]  }
0xf0: {  	v8 =	vld [tilespmem:s0+$0x20]  }
0xf1: {  	v9 =	vld [tilespmem:s0+$0xA0]  }
0xf2: {  	v10 =	vld [tilespmem:s8+$0xFFFFFFF0]  }
0xf3: {  	v11 =	vld [tilespmem:s0+$0x30]  }
0xf4: {  	v12 =	vld [tilespmem:s0+$0xB0]  }
0xf5: {  	v13 =	vld [tilespmem:s8+$0x0];
	v3 =	vadd.f32 v3, v0  }
0xf6: {  	v14 =	vld [tilespmem:s0+$0x40];
	v5 =	vadd.f32 v5, v4  }
0xf7: {  	[tilespmem:s0+$0xF0] =	vst v3;
	v3 =	vadd.f32 v6, v4;
	v4 =	vld [tilespmem:s0+$0xC0]  }
0xf8: {  	[tilespmem:s0+$0x10] =	vst v5;
	v5 =	vadd.f32 v8, v7;
	v8 =	vld [tilespmem:s8+$0x10]  }
0xf9: {  	[tilespmem:s0+$0x90] =	vst v3;
	v3 =	vadd.f32 v9, v7;
	v9 =	vld [tilespmem:s0+$0x50]  }
0xfa: {  	[tilespmem:s0+$0x20] =	vst v5;
	v5 =	vadd.f32 v11, v10;
	v11 =	vld [tilespmem:s0+$0xD0]  }
0xfb: {  	v6 =	vadd.f32 v12, v10;
	[tilespmem:s0+$0xA0] =	vst v3;
	v3 =	vld [tilespmem:s8+$0x20]  }
0xfc: {  	v7 =	vadd.f32 v14, v13;
	[tilespmem:s0+$0x30] =	vst v5;
	v5 =	vld [tilespmem:s0+$0x60]  }
0xfd: {  	[tilespmem:s0+$0xB0] =	vst v6;
	v6 =	vld [tilespmem:s0+$0xE0];
	v4 =	vadd.f32 v4, v13  }
0xfe: {  	[tilespmem:s0+$0x40] =	vst v7;
	v7 =	vld [tilespmem:s0+$0x70];
	v9 =	vadd.f32 v9, v8  }
0xff: {  	s2 =	simm.s32 $0x0;
	s3 =	simm.s32 $0xC0;
	s5 =	simm.s32 $0x15E00;
	[tilespmem:s0+$0xC0] =	vst v4;
	v4 =	vld [tilespmem:s8+$0xFFFFFFC0];
	v8 =	vadd.f32 v11, v8  }
.LBB2_9:
0x100: {  	v10 =	vld [tilespmem:s3+$0x30];
	[tilespmem:s0+$0x50] =	vst v9;
	s5 =	sadd.s32 $0x100, s5  }
0x101: {  	s2 =	sadd.s32 $0x8, s2;
	v9 =	vld [tilespmem:s5+$0xF0];
	[tilespmem:s0+$0xD0] =	vst v8;
	v5 =	vadd.f32 v5, v3  }
0x102: {  	p1 =	slt.u32 s2, $0x318;
	v8 =	vld [tilespmem:s5+$0x0];
	v3 =	vadd.f32 v6, v3  }
0x103: {  	v6 =	vld [tilespmem:s5+$0x80];
	[tilespmem:s0+$0x60] =	vst v5;
	v7 =	vadd.f32 v7, v0  }
0x104: {  	v5 =	vld [tilespmem:s3+$0xFFFFFFD0];
	v11 =	vadd.f32 v1, v4;
	v2 =	vadd.f32 v2, v4;
	[tilespmem:s0+$0xE0] =	vst v3  }
0x105: {  	v3 =	vld [tilespmem:s5+$0x10];
	[tilespmem:s0+$0x70] =	vst v7;
	v0 =	vmov v10  }
0x106: {  	v4 =	vld [tilespmem:s5+$0x90];
	v7 =	vadd.f32 v9, v0;
	[tilespmem:s0+$0x0] =	vst v11  }
0x107: {  	v9 =	vld [tilespmem:s3+$0xFFFFFFE0];
	[tilespmem:s0+$0x80] =	vst v2;
	v1 =	vmov v8;
	s0 =	smov.u32 s5  }
0x108: {  	v8 =	vld [tilespmem:s5+$0x20];
	[tilespmem:s5+$0xF0] =	vst v7;
	v2 =	vmov v6  }
0x109: {  	v6 =	vld [tilespmem:s5+$0xA0]  }
0x10a: {  	v3 =	vadd.f32 v3, v5;
	v7 =	vld [tilespmem:s3+$0xFFFFFFF0]  }
0x10b: {  	v4 =	vadd.f32 v4, v5;
	v5 =	vld [tilespmem:s5+$0x30]  }
0x10c: {  	[tilespmem:s5+$0x10] =	vst v3;
	v3 =	vld [tilespmem:s5+$0xB0]  }
0x10d: {  	[tilespmem:s5+$0x90] =	vst v4;
	v4 =	vadd.f32 v8, v9;
	v8 =	vld [tilespmem:s3+$0x0]  }
0x10e: {  	v6 =	vadd.f32 v6, v9;
	v9 =	vld [tilespmem:s5+$0x40]  }
0x10f: {  	[tilespmem:s5+$0x20] =	vst v4;
	v4 =	vld [tilespmem:s5+$0xC0]  }
0x110: {  	[tilespmem:s5+$0xA0] =	vst v6;
	v5 =	vadd.f32 v5, v7;
	v10 =	vld [tilespmem:s3+$0x10]  }
0x111: {  	v3 =	vadd.f32 v3, v7;
	v7 =	vld [tilespmem:s5+$0x50]  }
0x112: {  	[tilespmem:s5+$0x30] =	vst v5;
	v11 =	vld [tilespmem:s5+$0xD0]  }
.Ltmp5:
0x113: {  	[tilespmem:s5+$0xB0] =	vst v3;
	v6 =	vadd.f32 v9, v8;
	v3 =	vld [tilespmem:s3+$0x20];
	(pc) =	sbr.rel @p1 .LBB2_9-.Ltmp5, $4  }
0x114: {  	v4 =	vadd.f32 v4, v8;
	v5 =	vld [tilespmem:s5+$0x60]  }
0x115: {  	[tilespmem:s5+$0x40] =	vst v6;
	v6 =	vld [tilespmem:s5+$0xE0]  }
0x116: {  	[tilespmem:s5+$0xC0] =	vst v4;
	v9 =	vadd.f32 v7, v10;
	v7 =	vld [tilespmem:s5+$0x70]  }
0x117: {  	v4 =	vld [tilespmem:s3+$0xFFFFFFC0];
	v8 =	vadd.f32 v11, v10;
	s3 =	sadd.s32 $0x80, s3  }
0x118: {  	_ = 	snop  }
0x119: {  	[tilespmem:s0+$0x50] =	vst v9;
	v5 =	vadd.f32 v5, v3  }
0x11a: {  	[tilespmem:s0+$0xD0] =	vst v8;
	v63 =	vadd.f32 v6, v3  }
0x11b: {  	[tilespmem:s0+$0x60] =	vst v5;
	v0 =	vadd.f32 v7, v0  }
.Ltmp6:
0x11c: {  	v1 =	vadd.f32 v1, v4;
	[tilespmem:s0+$0xE0] =	vst v63;
	(pc) =	sbr.rel @p0 .LBB2_12-.Ltmp6, $4  }
0x11d: {  	v2 =	vadd.f32 v2, v4;
	[tilespmem:s0+$0x70] =	vst v0  }
0x11e: {  	[tilespmem:s0+$0x0] =	vst v1  }
0x11f: {  	s31 =	sadd.s32 s6, s31;
	[tilespmem:s0+$0x80] =	vst v2  }
0x120: {  	[hbm4b:s31+s14] =	stream.strided.scatter [tilespmem:s21], [sflag:$0x8], $0x6400, s15, s14, $0x38;
	[tilespmem:$0x1C200] =	vst v63  }
.Ltmp7:
0x121: {  	s0 =	sadd.s32 s30, s12;
	(pc) =	sbr.rel .LBB2_2-.Ltmp7, $4  }
0x122: {  	_ =	swait.ge [sflag:s25], $0x6400;
	s0 =	smul.u32 $0x3200, s0  }
0x123: {  	[sflag:s25] =	ssyncset.done $0x0  }
0x124: {  	s30 =	sadd.s32 $0x1, s30;
	[sflag:s25] =	ssyncadd.s32 $0xFFFF9C00;
	s0 =	sadd.s32 s0, s7  }
0x125: {  	[tilespmem:s17], [sflag:$0x2] =	stream.strided.gather [hbm4b:s0+s14], $0x6400, s15, s14, $0x38;
	[tilespmem:$0x1C200] =	vst v63  }
.LBB2_13:
0x126: {  	_ =	sfence.sel $0x180000  }
0x127: {  	[bflag:$0x0] =	sbarrier.arrive $0xFFFF  }
0x128: {  	_ =	strace $0x90000047  }
0x129: {  	s0 =	stileid.u32;
	[bflag:$0x2] =	sbarrier.arrive $0xFFFF  }
0x12a: {  	p0 =	sne.s32 s0, $0x0;
	s0 =	rddreg [dreg:$0x2]  }
0x12b: {  	s0 =	sadd.s32 @!p0 $0x100000, s0  }
0x12c: {  	[sflag:s0] =	ssyncadd.tile.s32 @!p0 $0x1;
	_ =	shalt  }
.Lfunc_end2:
_tile_overlayer_lowered:
.L_overlay_start_2:
0x12d: {  	(tag) =	ssettag $0x2  }
0x12e: {  	s0 =	rddreg [dreg:$0x0];
	s2 =	stileid.u32  }
0x12f: {  	s1 =	rddreg [dreg:$0x1];
	p0 =	sne.s32 s2, $0x0  }
0x130: {  	s3 =	rddreg [dreg:$0x2];
	[bflag:$0x3] =	sbarrier.arrive $0xFFFF;
	s2 =	simm.s32 @!p0 $0x1C09  }
0x131: {  	[timem:s3], [sflag:s2] =	dma.local @!p0 [hbm:s0], s1  }
0x132: {  	s0 =	simm.s32 @!p0 $0x9  }
0x133: {  	_ =	swait.ge @!p0 [sflag:s0], s1  }
0x134: {  	s1 =	ssub.s32 @!p0 $0x0, s1;
	[sflag:s0] =	ssyncset.done @!p0 $0x0  }
0x135: {  	[sflag:s0] =	ssyncadd.s32 @!p0 s1  }
0x136: {  	[bflag:$0x3] =	sbarrier.arrive $0xFFFF  }
0x137: {  	_ =	shalt  }

</sc_bundles>
